<compile_context>
chip_gen: v7x
topology: tpu7x:2x2x1
jax: 0.10.2.dev20260603
libtpu: 0.0.44.dev20260713+nightly
codegen_flags: <defaults>
</compile_context>

<pallas_src>
import functools

import jax
import jax.numpy as jnp
from jax import lax
from jax.experimental import pallas as pl
from jax.experimental.pallas import tpu as pltpu
from jax.experimental.pallas import tpu_sc as plsc

_N = 20000
_K = 80
_W = 1333.0
_H = 800.0
_THRESH = 0.05
_NMS_T = 0.5
_TOPK = 100

_NFLAT = _N * _K
_NC = 2
_NS = 16
_NW = _NC * _NS
_SLICE = _NFLAT // _NW
_BLK = 10000
_NBLK = _SLICE // _BLK
_BCH = _BLK // 16
_CAP = 2048
_PAD = 0
_C = _CAP * _NW
_ROWS = _C // 128


def _sc_compact(scores_flat, px1, py1, px2, py2):
    mesh = plsc.VectorSubcoreMesh(core_axis_name="c", subcore_axis_name="s")

    @functools.partial(
        pl.kernel,
        mesh=mesh,
        out_type=[
            jax.ShapeDtypeStruct((_C,), jnp.float32),
            jax.ShapeDtypeStruct((_C,), jnp.int32),
            jax.ShapeDtypeStruct((_C,), jnp.float32),
            jax.ShapeDtypeStruct((_C,), jnp.float32),
            jax.ShapeDtypeStruct((_C,), jnp.float32),
            jax.ShapeDtypeStruct((_C,), jnp.float32),
        ],
        scratch_types=[
            pltpu.VMEM((_BLK,), jnp.float32),
            pltpu.VMEM((_BLK,), jnp.float32),
            pltpu.VMEM((_BLK,), jnp.float32),
            pltpu.VMEM((_BLK,), jnp.float32),
            pltpu.VMEM((_BLK,), jnp.float32),
            pltpu.VMEM((_CAP + 16,), jnp.float32),
            pltpu.VMEM((_CAP + 16,), jnp.int32),
            pltpu.VMEM((_CAP + 16,), jnp.float32),
            pltpu.VMEM((_CAP + 16,), jnp.float32),
            pltpu.VMEM((_CAP + 16,), jnp.float32),
            pltpu.VMEM((_CAP + 16,), jnp.float32),
        ],
    )
    def sc_kernel(scores_hbm, x1_hbm, y1_hbm, x2_hbm, y2_hbm,
                  out_s, out_i, out_x1, out_y1, out_x2, out_y2,
                  bs, b1, b2, b3, b4, cs, ci, c1, c2, c3, c4):
        wid = lax.axis_index("s") * _NC + lax.axis_index("c")
        base = wid * _SLICE

        neg16 = jnp.full((16,), -jnp.inf, jnp.float32)
        zero16f = jnp.zeros((16,), jnp.float32)
        zero16i = jnp.zeros((16,), jnp.int32)

        def init_cap(j, carry):
            sl = pl.ds(j * 16, 16)
            cs[sl] = neg16
            ci[sl] = zero16i
            c1[sl] = zero16f
            c2[sl] = zero16f
            c3[sl] = zero16f
            c4[sl] = zero16f
            return carry

        lax.fori_loop(0, (_CAP + 16) // 16, init_cap, jnp.int32(0))

        def block(b, off):
            bbase = base + b * _BLK
            pltpu.sync_copy(scores_hbm.at[pl.ds(bbase, _BLK)], bs)
            pltpu.sync_copy(x1_hbm.at[pl.ds(bbase, _BLK)], b1)
            pltpu.sync_copy(y1_hbm.at[pl.ds(bbase, _BLK)], b2)
            pltpu.sync_copy(x2_hbm.at[pl.ds(bbase, _BLK)], b3)
            pltpu.sync_copy(y2_hbm.at[pl.ds(bbase, _BLK)], b4)

            one = jnp.int32(1)
            zero = jnp.int32(0)

            def chunk(j, off):
                sl = pl.ds(j * 16, 16)
                v = bs[sl]
                m = [v[k] > _THRESH for k in range(16)]
                mi = [jnp.where(mk, one, zero) for mk in m]
                pre = []
                acc = zero
                for k in range(16):
                    pre.append(acc)
                    acc = acc + mi[k]
                cnt = acc

                @pl.when(cnt > 0)
                def _appends():
                    v1 = b1[sl]
                    v2 = b2[sl]
                    v3 = b3[sl]
                    v4 = b4[sl]
                    off0 = jnp.minimum(off, _CAP - 1)
                    for k in range(16):
                        @pl.when(m[k])
                        def _append(k=k):
                            dst = pl.ds(
                                jnp.minimum(off0 + pre[k], _CAP - 1), 16)
                            cs[dst] = zero16f + v[k]
                            ci[dst] = zero16i + (bbase + j * 16 + k)
                            c1[dst] = zero16f + v1[k]
                            c2[dst] = zero16f + v2[k]
                            c3[dst] = zero16f + v3[k]
                            c4[dst] = zero16f + v4[k]

                return off + cnt

            return lax.fori_loop(0, _BCH, chunk, off)

        off_fin = lax.fori_loop(0, _NBLK, block, jnp.int32(0))
        cs[pl.ds(jnp.minimum(off_fin, _CAP - 1), 16)] = neg16

        obase = wid * _CAP
        osl = pl.ds(obase, _CAP)
        csl = pl.ds(0, _CAP)
        pltpu.sync_copy(cs.at[csl], out_s.at[osl])
        pltpu.sync_copy(ci.at[csl], out_i.at[osl])
        pltpu.sync_copy(c1.at[csl], out_x1.at[osl])
        pltpu.sync_copy(c2.at[csl], out_y1.at[osl])
        pltpu.sync_copy(c3.at[csl], out_x2.at[osl])
        pltpu.sync_copy(c4.at[csl], out_y2.at[osl])

    return sc_kernel(scores_flat, px1, py1, px2, py2)


def _nms_body(sc_ref, idx_ref, x1_ref, y1_ref, x2_ref, y2_ref, out_ref):
    neg = jnp.float32(-jnp.inf)
    sc = sc_ref[...]
    idx = idx_ref[...]
    x1c = jnp.clip(x1_ref[...], 0.0, _W)
    y1c = jnp.clip(y1_ref[...], 0.0, _H)
    x2c = jnp.clip(x2_ref[...], 0.0, _W)
    y2c = jnp.clip(y2_ref[...], 0.0, _H)
    valid = sc > _THRESH
    clsf = (idx % _K).astype(jnp.float32)
    coordmax = jnp.maximum(jnp.maximum(x1c, y1c), jnp.maximum(x2c, y2c))
    mcoord = jnp.max(jnp.where(valid, coordmax, neg))
    offs = clsf * (mcoord + 1.0)
    x1 = x1c + offs
    y1 = y1c + offs
    x2 = x2c + offs
    y2 = y2c + offs
    areas = jnp.maximum(x2 - x1, 0.0) * jnp.maximum(y2 - y1, 0.0)

    rowi = lax.broadcasted_iota(jnp.int32, (_ROWS, 128), 0)
    coli = lax.broadcasted_iota(jnp.int32, (_ROWS, 128), 1)
    pos = rowi * 128 + coli
    base_s = jnp.where(valid, sc, neg)
    orow = lax.broadcasted_iota(jnp.int32, (8, 128), 0)
    ocol = lax.broadcasted_iota(jnp.int32, (8, 128), 1)
    zf = jnp.float32(0.0)

    def body(t, state):
        s, outbuf = state
        m = jnp.max(s)
        has = m > neg
        i = jnp.min(jnp.where(s == m, pos, jnp.int32(2**31 - 1)))
        sel = pos == i
        x1c_i = jnp.sum(jnp.where(sel, x1c, zf))
        y1c_i = jnp.sum(jnp.where(sel, y1c, zf))
        x2c_i = jnp.sum(jnp.where(sel, x2c, zf))
        y2c_i = jnp.sum(jnp.where(sel, y2c, zf))
        clsf_i = jnp.sum(jnp.where(sel, clsf, zf))
        offs_i = clsf_i * (mcoord + 1.0)
        x1_i = x1c_i + offs_i
        y1_i = y1c_i + offs_i
        x2_i = x2c_i + offs_i
        y2_i = y2c_i + offs_i
        area_i = (jnp.maximum(x2_i - x1_i, 0.0)
                  * jnp.maximum(y2_i - y1_i, 0.0))
        xx1 = jnp.maximum(x1_i, x1)
        yy1 = jnp.maximum(y1_i, y1)
        xx2 = jnp.minimum(x2_i, x2)
        yy2 = jnp.minimum(y2_i, y2)
        inter = jnp.maximum(xx2 - xx1, 0.0) * jnp.maximum(yy2 - yy1, 0.0)
        iou = inter / (area_i + areas - inter + 1e-9)
        kill = (iou > _NMS_T) | (pos == i)
        s = jnp.where(has & kill, neg, s)

        ox1 = jnp.where(has, x1c_i, zf)
        oy1 = jnp.where(has, y1c_i, zf)
        ox2 = jnp.where(has, x2c_i, zf)
        oy2 = jnp.where(has, y2c_i, zf)
        osc = jnp.where(has, m, zf)
        ocl = jnp.where(has, clsf_i, zf)
        newcol = jnp.where(orow == 0, ox1,
                 jnp.where(orow == 1, oy1,
                 jnp.where(orow == 2, ox2,
                 jnp.where(orow == 3, oy2,
                 jnp.where(orow == 4, osc, ocl)))))
        outbuf = jnp.where(ocol == t, newcol, outbuf)
        return s, outbuf

    out0 = jnp.zeros((8, 128), jnp.float32)
    _, outbuf = lax.fori_loop(0, _TOPK, body, (base_s, out0))
    out_ref[...] = outbuf


def kernel(boxes, scores):
    scores_flat = scores[:, :_K].reshape(-1)
    boxes_rows = boxes.reshape(_NFLAT, 4)
    px1 = boxes_rows[:, 0]
    py1 = boxes_rows[:, 1]
    px2 = boxes_rows[:, 2]
    py2 = boxes_rows[:, 3]
    cand_s, cand_i, cx1, cy1, cx2, cy2 = _sc_compact(
        scores_flat, px1, py1, px2, py2)

    packed = pl.pallas_call(
        _nms_body,
        out_shape=jax.ShapeDtypeStruct((8, 128), jnp.float32),
    )(cand_s.reshape(_ROWS, 128), cand_i.reshape(_ROWS, 128),
      cx1.reshape(_ROWS, 128), cy1.reshape(_ROWS, 128),
      cx2.reshape(_ROWS, 128), cy2.reshape(_ROWS, 128))

    out_boxes = packed[0:4, :_TOPK].T
    out_scores = packed[4, :_TOPK]
    out_classes = packed[5, :_TOPK].astype(jnp.int32)
    return out_boxes, out_scores, out_classes

# --- scband reference (transcript-rebuilt; emitter-appended) ---
"""Pipeline reference for scband-fast-rcnnoutput-layers-34565896798855 (READ-ONLY COPY).

The authoritative reference and input builder live on the scoring server;
editing this copy changes nothing except your own understanding.
"""

import jax, jax.numpy as jnp
import numpy as np

N = 20000
K = 80
W = 1333.0
H = 800.0
SCORE_THRESH = 0.05
NMS_THRESH = 0.5
TOPK = 100


def setup_inputs(seed: int = 0):
    key = jax.random.key(seed)
    k1, k2 = jax.random.split(key)
    u = jax.random.uniform(k1, (N, K, 4), dtype=jnp.float32)
    x1 = u[..., 0] * W
    y1 = u[..., 1] * H
    bw = u[..., 2] * 150.0 + 1.0
    bh = u[..., 3] * 150.0 + 1.0
    boxes = jnp.stack([x1, y1, x1 + bw, y1 + bh], axis=-1).reshape(N, K * 4)
    logits = jax.random.normal(k2, (N, K + 1), dtype=jnp.float32)
    scores = jax.nn.softmax(logits, axis=-1)
    return {"boxes": boxes, "scores": scores}


def _greedy_nms(boxes, scores, iou_thresh, max_keep):
    boxes = np.asarray(boxes)
    scores = np.asarray(scores)
    order = np.argsort(-scores)
    x1, y1, x2, y2 = boxes[:, 0], boxes[:, 1], boxes[:, 2], boxes[:, 3]
    areas = np.maximum(x2 - x1, 0.0) * np.maximum(y2 - y1, 0.0)
    keep = []
    while order.size > 0 and len(keep) < max_keep:
        i = order[0]
        keep.append(i)
        rest = order[1:]
        xx1 = np.maximum(x1[i], x1[rest])
        yy1 = np.maximum(y1[i], y1[rest])
        xx2 = np.minimum(x2[i], x2[rest])
        yy2 = np.minimum(y2[i], y2[rest])
        inter = np.maximum(xx2 - xx1, 0.0) * np.maximum(yy2 - yy1, 0.0)
        iou = inter / (areas[i] + areas[rest] - inter + 1e-9)
        order = rest[iou <= iou_thresh]
    return np.asarray(keep, dtype=np.int64)


def reference(boxes, scores):
    # drop background column (last class) as in fast_rcnn_inference_single_image
    scores_k = scores[:, :-1]
    # clip boxes to the image extent
    b = boxes.reshape(-1, 4)
    b = jnp.stack([
        jnp.clip(b[:, 0], 0.0, W),
        jnp.clip(b[:, 1], 0.0, H),
        jnp.clip(b[:, 2], 0.0, W),
        jnp.clip(b[:, 3], 0.0, H),
    ], axis=-1).reshape(N, K, 4)
    # score thresholding -> candidate (proposal, class) pairs, fixed-shape masked
    mask = scores_k > SCORE_THRESH
    mask_f = mask.reshape(-1)
    cand_boxes = b.reshape(-1, 4)
    cand_scores = scores_k.reshape(-1)
    cols_f = jnp.tile(jnp.arange(K, dtype=jnp.int32), N)
    # batched NMS: offset coordinates per class so classes never overlap
    max_coord = jnp.max(jnp.where(mask_f[:, None], cand_boxes, -jnp.inf))
    offs = cols_f.astype(jnp.float32)[:, None] * (max_coord + 1.0)
    nb = cand_boxes + offs
    x1, y1, x2, y2 = nb[:, 0], nb[:, 1], nb[:, 2], nb[:, 3]
    areas = jnp.maximum(x2 - x1, 0.0) * jnp.maximum(y2 - y1, 0.0)
    neg = jnp.float32(-jnp.inf)
    base_scores = jnp.where(mask_f, cand_scores, neg)
    idx_all = jnp.arange(N * K, dtype=jnp.int32)

    def body(t, state):
        live, keep_idx, keep_valid = state
        s = jnp.where(live, base_scores, neg)
        i = jnp.argmax(s).astype(jnp.int32)
        has = s[i] > neg
        xx1 = jnp.maximum(x1[i], x1)
        yy1 = jnp.maximum(y1[i], y1)
        xx2 = jnp.minimum(x2[i], x2)
        yy2 = jnp.minimum(y2[i], y2)
        inter = jnp.maximum(xx2 - xx1, 0.0) * jnp.maximum(yy2 - yy1, 0.0)
        iou = inter / (areas[i] + areas - inter + 1e-9)
        live2 = live & (iou <= NMS_THRESH) & (idx_all != i)
        live = jnp.where(has, live2, live)
        keep_idx = keep_idx.at[t].set(jnp.where(has, i, jnp.int32(0)))
        keep_valid = keep_valid.at[t].set(has)
        return live, keep_idx, keep_valid

    live0 = mask_f
    keep_idx0 = jnp.zeros((TOPK,), dtype=jnp.int32)
    keep_valid0 = jnp.zeros((TOPK,), dtype=bool)
    live, keep_idx, keep_valid = jax.lax.fori_loop(
        0, TOPK, body, (live0, keep_idx0, keep_valid0)
    )
    valid = keep_valid.astype(jnp.float32)
    out_boxes = cand_boxes[keep_idx] * valid[:, None]
    out_scores = cand_scores[keep_idx] * valid
    out_classes = cols_f[keep_idx] * valid.astype(jnp.int32)
    return out_boxes, out_scores, out_classes

if __name__ == "__main__":
    import jax
    _d = setup_inputs()
    print(jax.jit(kernel)(*tuple(_d.values())))

</pallas_src>

<mosaic_0001>
#map = affine_map<(d0, d1) -> (0)>
module attributes {stable_mosaic.version = 14 : i64} {
  func.func @sc_kernel(%arg0: i32, %arg1: i32, %arg2: memref<1600000xf32, #tpu.memory_space<hbm>>, %arg3: memref<1600000xf32, #tpu.memory_space<hbm>>, %arg4: memref<1600000xf32, #tpu.memory_space<hbm>>, %arg5: memref<1600000xf32, #tpu.memory_space<hbm>>, %arg6: memref<1600000xf32, #tpu.memory_space<hbm>>, %arg7: memref<65536xf32, #tpu.memory_space<hbm>>, %arg8: memref<65536xi32, #tpu.memory_space<hbm>>, %arg9: memref<65536xf32, #tpu.memory_space<hbm>>, %arg10: memref<65536xf32, #tpu.memory_space<hbm>>, %arg11: memref<65536xf32, #tpu.memory_space<hbm>>, %arg12: memref<65536xf32, #tpu.memory_space<hbm>>, %arg13: memref<10000xf32, #tpu.memory_space<vmem>>, %arg14: memref<10000xf32, #tpu.memory_space<vmem>>, %arg15: memref<10000xf32, #tpu.memory_space<vmem>>, %arg16: memref<10000xf32, #tpu.memory_space<vmem>>, %arg17: memref<10000xf32, #tpu.memory_space<vmem>>, %arg18: memref<2064xf32, #tpu.memory_space<vmem>>, %arg19: memref<2064xi32, #tpu.memory_space<vmem>>, %arg20: memref<2064xf32, #tpu.memory_space<vmem>>, %arg21: memref<2064xf32, #tpu.memory_space<vmem>>, %arg22: memref<2064xf32, #tpu.memory_space<vmem>>, %arg23: memref<2064xf32, #tpu.memory_space<vmem>>) attributes {dimension_semantics = [#tpu.dimension_semantics<core_parallel>, #tpu.dimension_semantics<subcore_parallel>], iteration_bounds = array<i64: 2, 16>, scalar_prefetch = 0 : i64, scratch_operands = 11 : i64, tpu.core_type = #tpu.core_type<sc_vector_subcore>, window_params = [{transform_indices = #map}, {transform_indices = #map}, {transform_indices = #map}, {transform_indices = #map}, {transform_indices = #map}, {transform_indices = #map}, {transform_indices = #map}, {transform_indices = #map}, {transform_indices = #map}, {transform_indices = #map}, {transform_indices = #map}]} {
    %mul3A = arith.constant 2 : i32
    %mul3A_0 = arith.muli %arg1, %mul3A : i32
    %add3A = arith.addi %mul3A_0, %arg0 : i32
    %mul3A_1 = arith.constant 50000 : i32
    %mul3A_2 = arith.muli %add3A, %mul3A_1 : i32
    %broadcast_in_dim3A = arith.constant 0xFF800000 : f32
    %broadcast_in_dim3A_3 = vector.broadcast %broadcast_in_dim3A : f32 to vector<16xf32>
    %broadcast_in_dim3A_4 = arith.constant 0.000000e+00 : f32
    %broadcast_in_dim3A_5 = vector.broadcast %broadcast_in_dim3A_4 : f32 to vector<16xf32>
    %broadcast_in_dim3A_6 = arith.constant 0 : i32
    %broadcast_in_dim3A_7 = vector.broadcast %broadcast_in_dim3A_6 : i32 to vector<16xi32>
    %scan3A = arith.constant 0 : i32
    %scan3A_8 = arith.constant 0 : i32
    %scan3A_9 = arith.constant 129 : i32
    %scan3A_10 = arith.addi %scan3A_8, %scan3A_9 : i32
    %scan3A_11 = arith.constant 1 : i32
    scf.for %scan3A_26 = %scan3A_8 to %scan3A_10 step %scan3A_11  : i32 {
      %mul3A_27 = arith.constant 16 : i32
      %mul3A_28 = arith.muli %scan3A_26, %mul3A_27 : i32
      %swap3A_29 = arith.index_cast %mul3A_28 : i32 to index
      %swap3A_30 = tpu.vector_load %arg18[%swap3A_29] {strides = array<i32>} : memref<2064xf32, #tpu.memory_space<vmem>>, vector<16xf32>,
      %swap3A_31 = vector.shape_cast %swap3A_30 : vector<16xf32> to vector<16xf32>
      %swap3A_32 = vector.shape_cast %broadcast_in_dim3A_3 : vector<16xf32> to vector<16xf32>
      tpu.vector_store %arg18[%swap3A_29], %swap3A_32 {strides = array<i32>} : memref<2064xf32, #tpu.memory_space<vmem>>, vector<16xf32>,
      %swap3A_33 = arith.index_cast %mul3A_28 : i32 to index
      %swap3A_34 = tpu.vector_load %arg19[%swap3A_33] {strides = array<i32>} : memref<2064xi32, #tpu.memory_space<vmem>>, vector<16xi32>,
      %swap3A_35 = vector.shape_cast %swap3A_34 : vector<16xi32> to vector<16xi32>
      %swap3A_36 = vector.shape_cast %broadcast_in_dim3A_7 : vector<16xi32> to vector<16xi32>
      tpu.vector_store %arg19[%swap3A_33], %swap3A_36 {strides = array<i32>} : memref<2064xi32, #tpu.memory_space<vmem>>, vector<16xi32>,
      %swap3A_37 = arith.index_cast %mul3A_28 : i32 to index
      %swap3A_38 = tpu.vector_load %arg20[%swap3A_37] {strides = array<i32>} : memref<2064xf32, #tpu.memory_space<vmem>>, vector<16xf32>,
      %swap3A_39 = vector.shape_cast %swap3A_38 : vector<16xf32> to vector<16xf32>
      %swap3A_40 = vector.shape_cast %broadcast_in_dim3A_5 : vector<16xf32> to vector<16xf32>
      tpu.vector_store %arg20[%swap3A_37], %swap3A_40 {strides = array<i32>} : memref<2064xf32, #tpu.memory_space<vmem>>, vector<16xf32>,
      %swap3A_41 = arith.index_cast %mul3A_28 : i32 to index
      %swap3A_42 = tpu.vector_load %arg21[%swap3A_41] {strides = array<i32>} : memref<2064xf32, #tpu.memory_space<vmem>>, vector<16xf32>,
      %swap3A_43 = vector.shape_cast %swap3A_42 : vector<16xf32> to vector<16xf32>
      %swap3A_44 = vector.shape_cast %broadcast_in_dim3A_5 : vector<16xf32> to vector<16xf32>
      tpu.vector_store %arg21[%swap3A_41], %swap3A_44 {strides = array<i32>} : memref<2064xf32, #tpu.memory_space<vmem>>, vector<16xf32>,
      %swap3A_45 = arith.index_cast %mul3A_28 : i32 to index
      %swap3A_46 = tpu.vector_load %arg22[%swap3A_45] {strides = array<i32>} : memref<2064xf32, #tpu.memory_space<vmem>>, vector<16xf32>,
      %swap3A_47 = vector.shape_cast %swap3A_46 : vector<16xf32> to vector<16xf32>
      %swap3A_48 = vector.shape_cast %broadcast_in_dim3A_5 : vector<16xf32> to vector<16xf32>
      tpu.vector_store %arg22[%swap3A_45], %swap3A_48 {strides = array<i32>} : memref<2064xf32, #tpu.memory_space<vmem>>, vector<16xf32>,
      %swap3A_49 = arith.index_cast %mul3A_28 : i32 to index
      %swap3A_50 = tpu.vector_load %arg23[%swap3A_49] {strides = array<i32>} : memref<2064xf32, #tpu.memory_space<vmem>>, vector<16xf32>,
      %swap3A_51 = vector.shape_cast %swap3A_50 : vector<16xf32> to vector<16xf32>
      %swap3A_52 = vector.shape_cast %broadcast_in_dim3A_5 : vector<16xf32> to vector<16xf32>
      tpu.vector_store %arg23[%swap3A_49], %swap3A_52 {strides = array<i32>} : memref<2064xf32, #tpu.memory_space<vmem>>, vector<16xf32>,
    }
    %scan3A_12 = arith.constant 129 : i32
    %scan3A_13 = arith.constant 0 : i32
    %scan3A_14 = arith.constant 0 : i32
    %scan3A_15 = arith.constant 5 : i32
    %scan3A_16 = arith.addi %scan3A_14, %scan3A_15 : i32
    %scan3A_17 = arith.constant 1 : i32
    %scan3A_18 = scf.for %scan3A_26 = %scan3A_14 to %scan3A_16 step %scan3A_17 iter_args(%scan3A_27 = %scan3A_13) -> (i32)  : i32 {
      %mul3A_28 = arith.constant 10000 : i32
      %mul3A_29 = arith.muli %scan3A_26, %mul3A_28 : i32
      %add3A_30 = arith.addi %mul3A_2, %mul3A_29 : i32
      "tpu.region"() ({
        %run_scoped3A = tpu.sem_alloc : memref<!tpu.dma_semaphore, #tpu.memory_space<semaphore_mem>>
        %dma_start3A = tpu.memref_slice %arg2[%add3A_30] : memref<1600000xf32, #tpu.memory_space<hbm>> -> memref<10000xf32, #tpu.memory_space<hbm>>
        %dma_start3A_39 = tpu.memref_slice %arg2[%add3A_30] : memref<1600000xf32, #tpu.memory_space<hbm>> -> memref<10000xf32, #tpu.memory_space<hbm>>
        tpu.enqueue_dma source(%dma_start3A_39 : memref<10000xf32, #tpu.memory_space<hbm>>) target(%arg13 : memref<10000xf32, #tpu.memory_space<vmem>>) target_semaphore(%run_scoped3A : memref<!tpu.dma_semaphore, #tpu.memory_space<semaphore_mem>>)
        %dma_wait3A = tpu.memref_slice %arg2[%add3A_30] : memref<1600000xf32, #tpu.memory_space<hbm>> -> memref<10000xf32, #tpu.memory_space<hbm>>
        %dma_wait3A_40 = tpu.memref_slice %arg2[%add3A_30] : memref<1600000xf32, #tpu.memory_space<hbm>> -> memref<10000xf32, #tpu.memory_space<hbm>>
        tpu.wait_dma2 semaphore(%run_scoped3A : memref<!tpu.dma_semaphore, #tpu.memory_space<semaphore_mem>>) src(%dma_wait3A_40 : memref<10000xf32, #tpu.memory_space<hbm>>) dst(%arg13 : memref<10000xf32, #tpu.memory_space<vmem>>)
        tpu.yield
      }) : () -> ()
      "tpu.region"() ({
        %run_scoped3A = tpu.sem_alloc : memref<!tpu.dma_semaphore, #tpu.memory_space<semaphore_mem>>
        %dma_start3A = tpu.memref_slice %arg3[%add3A_30] : memref<1600000xf32, #tpu.memory_space<hbm>> -> memref<10000xf32, #tpu.memory_space<hbm>>
        %dma_start3A_39 = tpu.memref_slice %arg3[%add3A_30] : memref<1600000xf32, #tpu.memory_space<hbm>> -> memref<10000xf32, #tpu.memory_space<hbm>>
        tpu.enqueue_dma source(%dma_start3A_39 : memref<10000xf32, #tpu.memory_space<hbm>>) target(%arg14 : memref<10000xf32, #tpu.memory_space<vmem>>) target_semaphore(%run_scoped3A : memref<!tpu.dma_semaphore, #tpu.memory_space<semaphore_mem>>)
        %dma_wait3A = tpu.memref_slice %arg3[%add3A_30] : memref<1600000xf32, #tpu.memory_space<hbm>> -> memref<10000xf32, #tpu.memory_space<hbm>>
        %dma_wait3A_40 = tpu.memref_slice %arg3[%add3A_30] : memref<1600000xf32, #tpu.memory_space<hbm>> -> memref<10000xf32, #tpu.memory_space<hbm>>
        tpu.wait_dma2 semaphore(%run_scoped3A : memref<!tpu.dma_semaphore, #tpu.memory_space<semaphore_mem>>) src(%dma_wait3A_40 : memref<10000xf32, #tpu.memory_space<hbm>>) dst(%arg14 : memref<10000xf32, #tpu.memory_space<vmem>>)
        tpu.yield
      }) : () -> ()
      "tpu.region"() ({
        %run_scoped3A = tpu.sem_alloc : memref<!tpu.dma_semaphore, #tpu.memory_space<semaphore_mem>>
        %dma_start3A = tpu.memref_slice %arg4[%add3A_30] : memref<1600000xf32, #tpu.memory_space<hbm>> -> memref<10000xf32, #tpu.memory_space<hbm>>
        %dma_start3A_39 = tpu.memref_slice %arg4[%add3A_30] : memref<1600000xf32, #tpu.memory_space<hbm>> -> memref<10000xf32, #tpu.memory_space<hbm>>
        tpu.enqueue_dma source(%dma_start3A_39 : memref<10000xf32, #tpu.memory_space<hbm>>) target(%arg15 : memref<10000xf32, #tpu.memory_space<vmem>>) target_semaphore(%run_scoped3A : memref<!tpu.dma_semaphore, #tpu.memory_space<semaphore_mem>>)
        %dma_wait3A = tpu.memref_slice %arg4[%add3A_30] : memref<1600000xf32, #tpu.memory_space<hbm>> -> memref<10000xf32, #tpu.memory_space<hbm>>
        %dma_wait3A_40 = tpu.memref_slice %arg4[%add3A_30] : memref<1600000xf32, #tpu.memory_space<hbm>> -> memref<10000xf32, #tpu.memory_space<hbm>>
        tpu.wait_dma2 semaphore(%run_scoped3A : memref<!tpu.dma_semaphore, #tpu.memory_space<semaphore_mem>>) src(%dma_wait3A_40 : memref<10000xf32, #tpu.memory_space<hbm>>) dst(%arg15 : memref<10000xf32, #tpu.memory_space<vmem>>)
        tpu.yield
      }) : () -> ()
      "tpu.region"() ({
        %run_scoped3A = tpu.sem_alloc : memref<!tpu.dma_semaphore, #tpu.memory_space<semaphore_mem>>
        %dma_start3A = tpu.memref_slice %arg5[%add3A_30] : memref<1600000xf32, #tpu.memory_space<hbm>> -> memref<10000xf32, #tpu.memory_space<hbm>>
        %dma_start3A_39 = tpu.memref_slice %arg5[%add3A_30] : memref<1600000xf32, #tpu.memory_space<hbm>> -> memref<10000xf32, #tpu.memory_space<hbm>>
        tpu.enqueue_dma source(%dma_start3A_39 : memref<10000xf32, #tpu.memory_space<hbm>>) target(%arg16 : memref<10000xf32, #tpu.memory_space<vmem>>) target_semaphore(%run_scoped3A : memref<!tpu.dma_semaphore, #tpu.memory_space<semaphore_mem>>)
        %dma_wait3A = tpu.memref_slice %arg5[%add3A_30] : memref<1600000xf32, #tpu.memory_space<hbm>> -> memref<10000xf32, #tpu.memory_space<hbm>>
        %dma_wait3A_40 = tpu.memref_slice %arg5[%add3A_30] : memref<1600000xf32, #tpu.memory_space<hbm>> -> memref<10000xf32, #tpu.memory_space<hbm>>
        tpu.wait_dma2 semaphore(%run_scoped3A : memref<!tpu.dma_semaphore, #tpu.memory_space<semaphore_mem>>) src(%dma_wait3A_40 : memref<10000xf32, #tpu.memory_space<hbm>>) dst(%arg16 : memref<10000xf32, #tpu.memory_space<vmem>>)
        tpu.yield
      }) : () -> ()
      "tpu.region"() ({
        %run_scoped3A = tpu.sem_alloc : memref<!tpu.dma_semaphore, #tpu.memory_space<semaphore_mem>>
        %dma_start3A = tpu.memref_slice %arg6[%add3A_30] : memref<1600000xf32, #tpu.memory_space<hbm>> -> memref<10000xf32, #tpu.memory_space<hbm>>
        %dma_start3A_39 = tpu.memref_slice %arg6[%add3A_30] : memref<1600000xf32, #tpu.memory_space<hbm>> -> memref<10000xf32, #tpu.memory_space<hbm>>
        tpu.enqueue_dma source(%dma_start3A_39 : memref<10000xf32, #tpu.memory_space<hbm>>) target(%arg17 : memref<10000xf32, #tpu.memory_space<vmem>>) target_semaphore(%run_scoped3A : memref<!tpu.dma_semaphore, #tpu.memory_space<semaphore_mem>>)
        %dma_wait3A = tpu.memref_slice %arg6[%add3A_30] : memref<1600000xf32, #tpu.memory_space<hbm>> -> memref<10000xf32, #tpu.memory_space<hbm>>
        %dma_wait3A_40 = tpu.memref_slice %arg6[%add3A_30] : memref<1600000xf32, #tpu.memory_space<hbm>> -> memref<10000xf32, #tpu.memory_space<hbm>>
        tpu.wait_dma2 semaphore(%run_scoped3A : memref<!tpu.dma_semaphore, #tpu.memory_space<semaphore_mem>>) src(%dma_wait3A_40 : memref<10000xf32, #tpu.memory_space<hbm>>) dst(%arg17 : memref<10000xf32, #tpu.memory_space<vmem>>)
        tpu.yield
      }) : () -> ()
      %scan3A_31 = arith.constant 1 : i32
      %scan3A_32 = arith.constant 0 : i32
      %scan3A_33 = arith.constant 0 : i32
      %scan3A_34 = arith.constant 625 : i32
      %scan3A_35 = arith.addi %scan3A_33, %scan3A_34 : i32
      %scan3A_36 = arith.constant 1 : i32
      %scan3A_37 = scf.for %scan3A_39 = %scan3A_33 to %scan3A_35 step %scan3A_36 iter_args(%scan3A_40 = %scan3A_27) -> (i32)  : i32 {
        %mul3A_41 = arith.constant 16 : i32
        %mul3A_42 = arith.muli %scan3A_39, %mul3A_41 : i32
        %get3A = arith.index_cast %mul3A_42 : i32 to index
        %get3A_43 = tpu.vector_load %arg13[%get3A] {strides = array<i32>} : memref<10000xf32, #tpu.memory_space<vmem>>, vector<16xf32>,
        %get3A_44 = vector.shape_cast %get3A_43 : vector<16xf32> to vector<16xf32>
        %slice3A = vector.extract_strided_slice %get3A_44 {offsets = [0], sizes = [1], strides = [1]} : vector<16xf32> to vector<1xf32>
        %squeeze3A = vector.extract %slice3A[0] : f32 from vector<1xf32>
        %gt3A = arith.constant 5.000000e-02 : f32
        %gt3A_45 = arith.cmpf ogt, %squeeze3A, %gt3A : f32
        %slice3A_46 = vector.extract_strided_slice %get3A_44 {offsets = [1], sizes = [1], strides = [1]} : vector<16xf32> to vector<1xf32>
        %squeeze3A_47 = vector.extract %slice3A_46[0] : f32 from vector<1xf32>
        %gt3A_48 = arith.constant 5.000000e-02 : f32
        %gt3A_49 = arith.cmpf ogt, %squeeze3A_47, %gt3A_48 : f32
        %slice3A_50 = vector.extract_strided_slice %get3A_44 {offsets = [2], sizes = [1], strides = [1]} : vector<16xf32> to vector<1xf32>
        %squeeze3A_51 = vector.extract %slice3A_50[0] : f32 from vector<1xf32>
        %gt3A_52 = arith.constant 5.000000e-02 : f32
        %gt3A_53 = arith.cmpf ogt, %squeeze3A_51, %gt3A_52 : f32
        %slice3A_54 = vector.extract_strided_slice %get3A_44 {offsets = [3], sizes = [1], strides = [1]} : vector<16xf32> to vector<1xf32>
        %squeeze3A_55 = vector.extract %slice3A_54[0] : f32 from vector<1xf32>
        %gt3A_56 = arith.constant 5.000000e-02 : f32
        %gt3A_57 = arith.cmpf ogt, %squeeze3A_55, %gt3A_56 : f32
        %slice3A_58 = vector.extract_strided_slice %get3A_44 {offsets = [4], sizes = [1], strides = [1]} : vector<16xf32> to vector<1xf32>
        %squeeze3A_59 = vector.extract %slice3A_58[0] : f32 from vector<1xf32>
        %gt3A_60 = arith.constant 5.000000e-02 : f32
        %gt3A_61 = arith.cmpf ogt, %squeeze3A_59, %gt3A_60 : f32
        %slice3A_62 = vector.extract_strided_slice %get3A_44 {offsets = [5], sizes = [1], strides = [1]} : vector<16xf32> to vector<1xf32>
        %squeeze3A_63 = vector.extract %slice3A_62[0] : f32 from vector<1xf32>
        %gt3A_64 = arith.constant 5.000000e-02 : f32
        %gt3A_65 = arith.cmpf ogt, %squeeze3A_63, %gt3A_64 : f32
        %slice3A_66 = vector.extract_strided_slice %get3A_44 {offsets = [6], sizes = [1], strides = [1]} : vector<16xf32> to vector<1xf32>
        %squeeze3A_67 = vector.extract %slice3A_66[0] : f32 from vector<1xf32>
        %gt3A_68 = arith.constant 5.000000e-02 : f32
        %gt3A_69 = arith.cmpf ogt, %squeeze3A_67, %gt3A_68 : f32
        %slice3A_70 = vector.extract_strided_slice %get3A_44 {offsets = [7], sizes = [1], strides = [1]} : vector<16xf32> to vector<1xf32>
        %squeeze3A_71 = vector.extract %slice3A_70[0] : f32 from vector<1xf32>
        %gt3A_72 = arith.constant 5.000000e-02 : f32
        %gt3A_73 = arith.cmpf ogt, %squeeze3A_71, %gt3A_72 : f32
        %slice3A_74 = vector.extract_strided_slice %get3A_44 {offsets = [8], sizes = [1], strides = [1]} : vector<16xf32> to vector<1xf32>
        %squeeze3A_75 = vector.extract %slice3A_74[0] : f32 from vector<1xf32>
        %gt3A_76 = arith.constant 5.000000e-02 : f32
        %gt3A_77 = arith.cmpf ogt, %squeeze3A_75, %gt3A_76 : f32
        %slice3A_78 = vector.extract_strided_slice %get3A_44 {offsets = [9], sizes = [1], strides = [1]} : vector<16xf32> to vector<1xf32>
        %squeeze3A_79 = vector.extract %slice3A_78[0] : f32 from vector<1xf32>
        %gt3A_80 = arith.constant 5.000000e-02 : f32
        %gt3A_81 = arith.cmpf ogt, %squeeze3A_79, %gt3A_80 : f32
        %slice3A_82 = vector.extract_strided_slice %get3A_44 {offsets = [10], sizes = [1], strides = [1]} : vector<16xf32> to vector<1xf32>
        %squeeze3A_83 = vector.extract %slice3A_82[0] : f32 from vector<1xf32>
        %gt3A_84 = arith.constant 5.000000e-02 : f32
        %gt3A_85 = arith.cmpf ogt, %squeeze3A_83, %gt3A_84 : f32
        %slice3A_86 = vector.extract_strided_slice %get3A_44 {offsets = [11], sizes = [1], strides = [1]} : vector<16xf32> to vector<1xf32>
        %squeeze3A_87 = vector.extract %slice3A_86[0] : f32 from vector<1xf32>
        %gt3A_88 = arith.constant 5.000000e-02 : f32
        %gt3A_89 = arith.cmpf ogt, %squeeze3A_87, %gt3A_88 : f32
        %slice3A_90 = vector.extract_strided_slice %get3A_44 {offsets = [12], sizes = [1], strides = [1]} : vector<16xf32> to vector<1xf32>
        %squeeze3A_91 = vector.extract %slice3A_90[0] : f32 from vector<1xf32>
        %gt3A_92 = arith.constant 5.000000e-02 : f32
        %gt3A_93 = arith.cmpf ogt, %squeeze3A_91, %gt3A_92 : f32
        %slice3A_94 = vector.extract_strided_slice %get3A_44 {offsets = [13], sizes = [1], strides = [1]} : vector<16xf32> to vector<1xf32>
        %squeeze3A_95 = vector.extract %slice3A_94[0] : f32 from vector<1xf32>
        %gt3A_96 = arith.constant 5.000000e-02 : f32
        %gt3A_97 = arith.cmpf ogt, %squeeze3A_95, %gt3A_96 : f32
        %slice3A_98 = vector.extract_strided_slice %get3A_44 {offsets = [14], sizes = [1], strides = [1]} : vector<16xf32> to vector<1xf32>
        %squeeze3A_99 = vector.extract %slice3A_98[0] : f32 from vector<1xf32>
        %gt3A_100 = arith.constant 5.000000e-02 : f32
        %gt3A_101 = arith.cmpf ogt, %squeeze3A_99, %gt3A_100 : f32
        %slice3A_102 = vector.extract_strided_slice %get3A_44 {offsets = [15], sizes = [1], strides = [1]} : vector<16xf32> to vector<1xf32>
        %squeeze3A_103 = vector.extract %slice3A_102[0] : f32 from vector<1xf32>
        %gt3A_104 = arith.constant 5.000000e-02 : f32
        %gt3A_105 = arith.cmpf ogt, %squeeze3A_103, %gt3A_104 : f32
        %select_n3A = arith.select %gt3A_45, %scan3A_31, %scan3A_32 : i32
        %select_n3A_106 = arith.select %gt3A_49, %scan3A_31, %scan3A_32 : i32
        %select_n3A_107 = arith.select %gt3A_53, %scan3A_31, %scan3A_32 : i32
        %select_n3A_108 = arith.select %gt3A_57, %scan3A_31, %scan3A_32 : i32
        %select_n3A_109 = arith.select %gt3A_61, %scan3A_31, %scan3A_32 : i32
        %select_n3A_110 = arith.select %gt3A_65, %scan3A_31, %scan3A_32 : i32
        %select_n3A_111 = arith.select %gt3A_69, %scan3A_31, %scan3A_32 : i32
        %select_n3A_112 = arith.select %gt3A_73, %scan3A_31, %scan3A_32 : i32
        %select_n3A_113 = arith.select %gt3A_77, %scan3A_31, %scan3A_32 : i32
        %select_n3A_114 = arith.select %gt3A_81, %scan3A_31, %scan3A_32 : i32
        %select_n3A_115 = arith.select %gt3A_85, %scan3A_31, %scan3A_32 : i32
        %select_n3A_116 = arith.select %gt3A_89, %scan3A_31, %scan3A_32 : i32
        %select_n3A_117 = arith.select %gt3A_93, %scan3A_31, %scan3A_32 : i32
        %select_n3A_118 = arith.select %gt3A_97, %scan3A_31, %scan3A_32 : i32
        %select_n3A_119 = arith.select %gt3A_101, %scan3A_31, %scan3A_32 : i32
        %select_n3A_120 = arith.select %gt3A_105, %scan3A_31, %scan3A_32 : i32
        %add3A_121 = arith.addi %scan3A_32, %select_n3A : i32
        %add3A_122 = arith.addi %add3A_121, %select_n3A_106 : i32
        %add3A_123 = arith.addi %add3A_122, %select_n3A_107 : i32
        %add3A_124 = arith.addi %add3A_123, %select_n3A_108 : i32
        %add3A_125 = arith.addi %add3A_124, %select_n3A_109 : i32
        %add3A_126 = arith.addi %add3A_125, %select_n3A_110 : i32
        %add3A_127 = arith.addi %add3A_126, %select_n3A_111 : i32
        %add3A_128 = arith.addi %add3A_127, %select_n3A_112 : i32
        %add3A_129 = arith.addi %add3A_128, %select_n3A_113 : i32
        %add3A_130 = arith.addi %add3A_129, %select_n3A_114 : i32
        %add3A_131 = arith.addi %add3A_130, %select_n3A_115 : i32
        %add3A_132 = arith.addi %add3A_131, %select_n3A_116 : i32
        %add3A_133 = arith.addi %add3A_132, %select_n3A_117 : i32
        %add3A_134 = arith.addi %add3A_133, %select_n3A_118 : i32
        %add3A_135 = arith.addi %add3A_134, %select_n3A_119 : i32
        %add3A_136 = arith.addi %add3A_135, %select_n3A_120 : i32
        %gt3A_137 = arith.constant 0 : i32
        %gt3A_138 = arith.cmpi sgt, %add3A_136, %gt3A_137 : i32
        %convert_element_type3A = arith.extui %gt3A_138 : i1 to i32
        %cond3A = arith.constant 0 : i32
        %cond3A_139 = arith.cmpi ne, %convert_element_type3A, %cond3A : i32
        scf.if %cond3A_139 {
          %get3A_141 = arith.index_cast %mul3A_42 : i32 to index
          %get3A_142 = tpu.vector_load %arg14[%get3A_141] {strides = array<i32>} : memref<10000xf32, #tpu.memory_space<vmem>>, vector<16xf32>,
          %get3A_143 = vector.shape_cast %get3A_142 : vector<16xf32> to vector<16xf32>
          %get3A_144 = arith.index_cast %mul3A_42 : i32 to index
          %get3A_145 = tpu.vector_load %arg15[%get3A_144] {strides = array<i32>} : memref<10000xf32, #tpu.memory_space<vmem>>, vector<16xf32>,
          %get3A_146 = vector.shape_cast %get3A_145 : vector<16xf32> to vector<16xf32>
          %get3A_147 = arith.index_cast %mul3A_42 : i32 to index
          %get3A_148 = tpu.vector_load %arg16[%get3A_147] {strides = array<i32>} : memref<10000xf32, #tpu.memory_space<vmem>>, vector<16xf32>,
          %get3A_149 = vector.shape_cast %get3A_148 : vector<16xf32> to vector<16xf32>
          %get3A_150 = arith.index_cast %mul3A_42 : i32 to index
          %get3A_151 = tpu.vector_load %arg17[%get3A_150] {strides = array<i32>} : memref<10000xf32, #tpu.memory_space<vmem>>, vector<16xf32>,
          %get3A_152 = vector.shape_cast %get3A_151 : vector<16xf32> to vector<16xf32>
          %min3A_153 = arith.constant 2047 : i32
          %min3A_154 = arith.minsi %scan3A_40, %min3A_153 : i32
          %convert_element_type3A_155 = arith.extui %gt3A_45 : i1 to i32
          %cond3A_156 = arith.constant 0 : i32
          %cond3A_157 = arith.cmpi ne, %convert_element_type3A_155, %cond3A_156 : i32
          scf.if %cond3A_157 {
            %add3A_203 = arith.addi %min3A_154, %scan3A_32 : i32
            %min3A_204 = arith.constant 2047 : i32
            %min3A_205 = arith.minsi %add3A_203, %min3A_204 : i32
            %slice3A_206 = vector.extract_strided_slice %get3A_44 {offsets = [0], sizes = [1], strides = [1]} : vector<16xf32> to vector<1xf32>
            %squeeze3A_207 = vector.extract %slice3A_206[0] : f32 from vector<1xf32>
            %add3A_208 = vector.broadcast %squeeze3A_207 : f32 to vector<16xf32>
            %add3A_209 = arith.addf %broadcast_in_dim3A_5, %add3A_208 : vector<16xf32>
            %swap3A_210 = arith.index_cast %min3A_205 : i32 to index
            %swap3A_211 = tpu.vector_load %arg18[%swap3A_210] {strides = array<i32>} : memref<2064xf32, #tpu.memory_space<vmem>>, vector<16xf32>,
            %swap3A_212 = vector.shape_cast %swap3A_211 : vector<16xf32> to vector<16xf32>
            %swap3A_213 = vector.shape_cast %add3A_209 : vector<16xf32> to vector<16xf32>
            tpu.vector_store %arg18[%swap3A_210], %swap3A_213 {strides = array<i32>} : memref<2064xf32, #tpu.memory_space<vmem>>, vector<16xf32>,
            %mul3A_214 = arith.constant 16 : i32
            %mul3A_215 = arith.muli %scan3A_39, %mul3A_214 : i32
            %add3A_216 = arith.addi %add3A_30, %mul3A_215 : i32
            %add3A_217 = arith.constant 0 : i32
            %add3A_218 = arith.addi %add3A_216, %add3A_217 : i32
            %add3A_219 = vector.broadcast %add3A_218 : i32 to vector<16xi32>
            %add3A_220 = arith.addi %broadcast_in_dim3A_7, %add3A_219 : vector<16xi32>
            %swap3A_221 = arith.index_cast %min3A_205 : i32 to index
            %swap3A_222 = tpu.vector_load %arg19[%swap3A_221] {strides = array<i32>} : memref<2064xi32, #tpu.memory_space<vmem>>, vector<16xi32>,
            %swap3A_223 = vector.shape_cast %swap3A_222 : vector<16xi32> to vector<16xi32>
            %swap3A_224 = vector.shape_cast %add3A_220 : vector<16xi32> to vector<16xi32>
            tpu.vector_store %arg19[%swap3A_221], %swap3A_224 {strides = array<i32>} : memref<2064xi32, #tpu.memory_space<vmem>>, vector<16xi32>,
            %slice3A_225 = vector.extract_strided_slice %get3A_143 {offsets = [0], sizes = [1], strides = [1]} : vector<16xf32> to vector<1xf32>
            %squeeze3A_226 = vector.extract %slice3A_225[0] : f32 from vector<1xf32>
            %add3A_227 = vector.broadcast %squeeze3A_226 : f32 to vector<16xf32>
            %add3A_228 = arith.addf %broadcast_in_dim3A_5, %add3A_227 : vector<16xf32>
            %swap3A_229 = arith.index_cast %min3A_205 : i32 to index
            %swap3A_230 = tpu.vector_load %arg20[%swap3A_229] {strides = array<i32>} : memref<2064xf32, #tpu.memory_space<vmem>>, vector<16xf32>,
            %swap3A_231 = vector.shape_cast %swap3A_230 : vector<16xf32> to vector<16xf32>
            %swap3A_232 = vector.shape_cast %add3A_228 : vector<16xf32> to vector<16xf32>
            tpu.vector_store %arg20[%swap3A_229], %swap3A_232 {strides = array<i32>} : memref<2064xf32, #tpu.memory_space<vmem>>, vector<16xf32>,
            %slice3A_233 = vector.extract_strided_slice %get3A_146 {offsets = [0], sizes = [1], strides = [1]} : vector<16xf32> to vector<1xf32>
            %squeeze3A_234 = vector.extract %slice3A_233[0] : f32 from vector<1xf32>
            %add3A_235 = vector.broadcast %squeeze3A_234 : f32 to vector<16xf32>
            %add3A_236 = arith.addf %broadcast_in_dim3A_5, %add3A_235 : vector<16xf32>
            %swap3A_237 = arith.index_cast %min3A_205 : i32 to index
            %swap3A_238 = tpu.vector_load %arg21[%swap3A_237] {strides = array<i32>} : memref<2064xf32, #tpu.memory_space<vmem>>, vector<16xf32>,
            %swap3A_239 = vector.shape_cast %swap3A_238 : vector<16xf32> to vector<16xf32>
            %swap3A_240 = vector.shape_cast %add3A_236 : vector<16xf32> to vector<16xf32>
            tpu.vector_store %arg21[%swap3A_237], %swap3A_240 {strides = array<i32>} : memref<2064xf32, #tpu.memory_space<vmem>>, vector<16xf32>,
            %slice3A_241 = vector.extract_strided_slice %get3A_149 {offsets = [0], sizes = [1], strides = [1]} : vector<16xf32> to vector<1xf32>
            %squeeze3A_242 = vector.extract %slice3A_241[0] : f32 from vector<1xf32>
            %add3A_243 = vector.broadcast %squeeze3A_242 : f32 to vector<16xf32>
            %add3A_244 = arith.addf %broadcast_in_dim3A_5, %add3A_243 : vector<16xf32>
            %swap3A_245 = arith.index_cast %min3A_205 : i32 to index
            %swap3A_246 = tpu.vector_load %arg22[%swap3A_245] {strides = array<i32>} : memref<2064xf32, #tpu.memory_space<vmem>>, vector<16xf32>,
            %swap3A_247 = vector.shape_cast %swap3A_246 : vector<16xf32> to vector<16xf32>
            %swap3A_248 = vector.shape_cast %add3A_244 : vector<16xf32> to vector<16xf32>
            tpu.vector_store %arg22[%swap3A_245], %swap3A_248 {strides = array<i32>} : memref<2064xf32, #tpu.memory_space<vmem>>, vector<16xf32>,
            %slice3A_249 = vector.extract_strided_slice %get3A_152 {offsets = [0], sizes = [1], strides = [1]} : vector<16xf32> to vector<1xf32>
            %squeeze3A_250 = vector.extract %slice3A_249[0] : f32 from vector<1xf32>
            %add3A_251 = vector.broadcast %squeeze3A_250 : f32 to vector<16xf32>
            %add3A_252 = arith.addf %broadcast_in_dim3A_5, %add3A_251 : vector<16xf32>
            %swap3A_253 = arith.index_cast %min3A_205 : i32 to index
            %swap3A_254 = tpu.vector_load %arg23[%swap3A_253] {strides = array<i32>} : memref<2064xf32, #tpu.memory_space<vmem>>, vector<16xf32>,
            %swap3A_255 = vector.shape_cast %swap3A_254 : vector<16xf32> to vector<16xf32>
            %swap3A_256 = vector.shape_cast %add3A_252 : vector<16xf32> to vector<16xf32>
            tpu.vector_store %arg23[%swap3A_253], %swap3A_256 {strides = array<i32>} : memref<2064xf32, #tpu.memory_space<vmem>>, vector<16xf32>,
          } else {
          }
          %convert_element_type3A_158 = arith.extui %gt3A_49 : i1 to i32
          %cond3A_159 = arith.constant 0 : i32
          %cond3A_160 = arith.cmpi ne, %convert_element_type3A_158, %cond3A_159 : i32
          scf.if %cond3A_160 {
            %add3A_203 = arith.addi %min3A_154, %add3A_121 : i32
            %min3A_204 = arith.constant 2047 : i32
            %min3A_205 = arith.minsi %add3A_203, %min3A_204 : i32
            %slice3A_206 = vector.extract_strided_slice %get3A_44 {offsets = [1], sizes = [1], strides = [1]} : vector<16xf32> to vector<1xf32>
            %squeeze3A_207 = vector.extract %slice3A_206[0] : f32 from vector<1xf32>
            %add3A_208 = vector.broadcast %squeeze3A_207 : f32 to vector<16xf32>
            %add3A_209 = arith.addf %broadcast_in_dim3A_5, %add3A_208 : vector<16xf32>
            %swap3A_210 = arith.index_cast %min3A_205 : i32 to index
            %swap3A_211 = tpu.vector_load %arg18[%swap3A_210] {strides = array<i32>} : memref<2064xf32, #tpu.memory_space<vmem>>, vector<16xf32>,
            %swap3A_212 = vector.shape_cast %swap3A_211 : vector<16xf32> to vector<16xf32>
            %swap3A_213 = vector.shape_cast %add3A_209 : vector<16xf32> to vector<16xf32>
            tpu.vector_store %arg18[%swap3A_210], %swap3A_213 {strides = array<i32>} : memref<2064xf32, #tpu.memory_space<vmem>>, vector<16xf32>,
            %mul3A_214 = arith.constant 16 : i32
            %mul3A_215 = arith.muli %scan3A_39, %mul3A_214 : i32
            %add3A_216 = arith.addi %add3A_30, %mul3A_215 : i32
            %add3A_217 = arith.constant 1 : i32
            %add3A_218 = arith.addi %add3A_216, %add3A_217 : i32
            %add3A_219 = vector.broadcast %add3A_218 : i32 to vector<16xi32>
            %add3A_220 = arith.addi %broadcast_in_dim3A_7, %add3A_219 : vector<16xi32>
            %swap3A_221 = arith.index_cast %min3A_205 : i32 to index
            %swap3A_222 = tpu.vector_load %arg19[%swap3A_221] {strides = array<i32>} : memref<2064xi32, #tpu.memory_space<vmem>>, vector<16xi32>,
            %swap3A_223 = vector.shape_cast %swap3A_222 : vector<16xi32> to vector<16xi32>
            %swap3A_224 = vector.shape_cast %add3A_220 : vector<16xi32> to vector<16xi32>
            tpu.vector_store %arg19[%swap3A_221], %swap3A_224 {strides = array<i32>} : memref<2064xi32, #tpu.memory_space<vmem>>, vector<16xi32>,
            %slice3A_225 = vector.extract_strided_slice %get3A_143 {offsets = [1], sizes = [1], strides = [1]} : vector<16xf32> to vector<1xf32>
            %squeeze3A_226 = vector.extract %slice3A_225[0] : f32 from vector<1xf32>
            %add3A_227 = vector.broadcast %squeeze3A_226 : f32 to vector<16xf32>
            %add3A_228 = arith.addf %broadcast_in_dim3A_5, %add3A_227 : vector<16xf32>
            %swap3A_229 = arith.index_cast %min3A_205 : i32 to index
            %swap3A_230 = tpu.vector_load %arg20[%swap3A_229] {strides = array<i32>} : memref<2064xf32, #tpu.memory_space<vmem>>, vector<16xf32>,
            %swap3A_231 = vector.shape_cast %swap3A_230 : vector<16xf32> to vector<16xf32>
            %swap3A_232 = vector.shape_cast %add3A_228 : vector<16xf32> to vector<16xf32>
            tpu.vector_store %arg20[%swap3A_229], %swap3A_232 {strides = array<i32>} : memref<2064xf32, #tpu.memory_space<vmem>>, vector<16xf32>,
            %slice3A_233 = vector.extract_strided_slice %get3A_146 {offsets = [1], sizes = [1], strides = [1]} : vector<16xf32> to vector<1xf32>
            %squeeze3A_234 = vector.extract %slice3A_233[0] : f32 from vector<1xf32>
            %add3A_235 = vector.broadcast %squeeze3A_234 : f32 to vector<16xf32>
            %add3A_236 = arith.addf %broadcast_in_dim3A_5, %add3A_235 : vector<16xf32>
            %swap3A_237 = arith.index_cast %min3A_205 : i32 to index
            %swap3A_238 = tpu.vector_load %arg21[%swap3A_237] {strides = array<i32>} : memref<2064xf32, #tpu.memory_space<vmem>>, vector<16xf32>,
            %swap3A_239 = vector.shape_cast %swap3A_238 : vector<16xf32> to vector<16xf32>
            %swap3A_240 = vector.shape_cast %add3A_236 : vector<16xf32> to vector<16xf32>
            tpu.vector_store %arg21[%swap3A_237], %swap3A_240 {strides = array<i32>} : memref<2064xf32, #tpu.memory_space<vmem>>, vector<16xf32>,
            %slice3A_241 = vector.extract_strided_slice %get3A_149 {offsets = [1], sizes = [1], strides = [1]} : vector<16xf32> to vector<1xf32>
            %squeeze3A_242 = vector.extract %slice3A_241[0] : f32 from vector<1xf32>
            %add3A_243 = vector.broadcast %squeeze3A_242 : f32 to vector<16xf32>
            %add3A_244 = arith.addf %broadcast_in_dim3A_5, %add3A_243 : vector<16xf32>
            %swap3A_245 = arith.index_cast %min3A_205 : i32 to index
            %swap3A_246 = tpu.vector_load %arg22[%swap3A_245] {strides = array<i32>} : memref<2064xf32, #tpu.memory_space<vmem>>, vector<16xf32>,
            %swap3A_247 = vector.shape_cast %swap3A_246 : vector<16xf32> to vector<16xf32>
            %swap3A_248 = vector.shape_cast %add3A_244 : vector<16xf32> to vector<16xf32>
            tpu.vector_store %arg22[%swap3A_245], %swap3A_248 {strides = array<i32>} : memref<2064xf32, #tpu.memory_space<vmem>>, vector<16xf32>,
            %slice3A_249 = vector.extract_strided_slice %get3A_152 {offsets = [1], sizes = [1], strides = [1]} : vector<16xf32> to vector<1xf32>
            %squeeze3A_250 = vector.extract %slice3A_249[0] : f32 from vector<1xf32>
            %add3A_251 = vector.broadcast %squeeze3A_250 : f32 to vector<16xf32>
            %add3A_252 = arith.addf %broadcast_in_dim3A_5, %add3A_251 : vector<16xf32>
            %swap3A_253 = arith.index_cast %min3A_205 : i32 to index
            %swap3A_254 = tpu.vector_load %arg23[%swap3A_253] {strides = array<i32>} : memref<2064xf32, #tpu.memory_space<vmem>>, vector<16xf32>,
            %swap3A_255 = vector.shape_cast %swap3A_254 : vector<16xf32> to vector<16xf32>
            %swap3A_256 = vector.shape_cast %add3A_252 : vector<16xf32> to vector<16xf32>
            tpu.vector_store %arg23[%swap3A_253], %swap3A_256 {strides = array<i32>} : memref<2064xf32, #tpu.memory_space<vmem>>, vector<16xf32>,
          } else {
          }
          %convert_element_type3A_161 = arith.extui %gt3A_53 : i1 to i32
          %cond3A_162 = arith.constant 0 : i32
          %cond3A_163 = arith.cmpi ne, %convert_element_type3A_161, %cond3A_162 : i32
          scf.if %cond3A_163 {
            %add3A_203 = arith.addi %min3A_154, %add3A_122 : i32
            %min3A_204 = arith.constant 2047 : i32
            %min3A_205 = arith.minsi %add3A_203, %min3A_204 : i32
            %slice3A_206 = vector.extract_strided_slice %get3A_44 {offsets = [2], sizes = [1], strides = [1]} : vector<16xf32> to vector<1xf32>
            %squeeze3A_207 = vector.extract %slice3A_206[0] : f32 from vector<1xf32>
            %add3A_208 = vector.broadcast %squeeze3A_207 : f32 to vector<16xf32>
            %add3A_209 = arith.addf %broadcast_in_dim3A_5, %add3A_208 : vector<16xf32>
            %swap3A_210 = arith.index_cast %min3A_205 : i32 to index
            %swap3A_211 = tpu.vector_load %arg18[%swap3A_210] {strides = array<i32>} : memref<2064xf32, #tpu.memory_space<vmem>>, vector<16xf32>,
            %swap3A_212 = vector.shape_cast %swap3A_211 : vector<16xf32> to vector<16xf32>
            %swap3A_213 = vector.shape_cast %add3A_209 : vector<16xf32> to vector<16xf32>
            tpu.vector_store %arg18[%swap3A_210], %swap3A_213 {strides = array<i32>} : memref<2064xf32, #tpu.memory_space<vmem>>, vector<16xf32>,
            %mul3A_214 = arith.constant 16 : i32
            %mul3A_215 = arith.muli %scan3A_39, %mul3A_214 : i32
            %add3A_216 = arith.addi %add3A_30, %mul3A_215 : i32
            %add3A_217 = arith.constant 2 : i32
            %add3A_218 = arith.addi %add3A_216, %add3A_217 : i32
            %add3A_219 = vector.broadcast %add3A_218 : i32 to vector<16xi32>
            %add3A_220 = arith.addi %broadcast_in_dim3A_7, %add3A_219 : vector<16xi32>
            %swap3A_221 = arith.index_cast %min3A_205 : i32 to index
            %swap3A_222 = tpu.vector_load %arg19[%swap3A_221] {strides = array<i32>} : memref<2064xi32, #tpu.memory_space<vmem>>, vector<16xi32>,
            %swap3A_223 = vector.shape_cast %swap3A_222 : vector<16xi32> to vector<16xi32>
            %swap3A_224 = vector.shape_cast %add3A_220 : vector<16xi32> to vector<16xi32>
            tpu.vector_store %arg19[%swap3A_221], %swap3A_224 {strides = array<i32>} : memref<2064xi32, #tpu.memory_space<vmem>>, vector<16xi32>,
            %slice3A_225 = vector.extract_strided_slice %get3A_143 {offsets = [2], sizes = [1], strides = [1]} : vector<16xf32> to vector<1xf32>
            %squeeze3A_226 = vector.extract %slice3A_225[0] : f32 from vector<1xf32>
            %add3A_227 = vector.broadcast %squeeze3A_226 : f32 to vector<16xf32>
            %add3A_228 = arith.addf %broadcast_in_dim3A_5, %add3A_227 : vector<16xf32>
            %swap3A_229 = arith.index_cast %min3A_205 : i32 to index
            %swap3A_230 = tpu.vector_load %arg20[%swap3A_229] {strides = array<i32>} : memref<2064xf32, #tpu.memory_space<vmem>>, vector<16xf32>,
            %swap3A_231 = vector.shape_cast %swap3A_230 : vector<16xf32> to vector<16xf32>
            %swap3A_232 = vector.shape_cast %add3A_228 : vector<16xf32> to vector<16xf32>
            tpu.vector_store %arg20[%swap3A_229], %swap3A_232 {strides = array<i32>} : memref<2064xf32, #tpu.memory_space<vmem>>, vector<16xf32>,
            %slice3A_233 = vector.extract_strided_slice %get3A_146 {offsets = [2], sizes = [1], strides = [1]} : vector<16xf32> to vector<1xf32>
            %squeeze3A_234 = vector.extract %slice3A_233[0] : f32 from vector<1xf32>
            %add3A_235 = vector.broadcast %squeeze3A_234 : f32 to vector<16xf32>
            %add3A_236 = arith.addf %broadcast_in_dim3A_5, %add3A_235 : vector<16xf32>
            %swap3A_237 = arith.index_cast %min3A_205 : i32 to index
            %swap3A_238 = tpu.vector_load %arg21[%swap3A_237] {strides = array<i32>} : memref<2064xf32, #tpu.memory_space<vmem>>, vector<16xf32>,
            %swap3A_239 = vector.shape_cast %swap3A_238 : vector<16xf32> to vector<16xf32>
            %swap3A_240 = vector.shape_cast %add3A_236 : vector<16xf32> to vector<16xf32>
            tpu.vector_store %arg21[%swap3A_237], %swap3A_240 {strides = array<i32>} : memref<2064xf32, #tpu.memory_space<vmem>>, vector<16xf32>,
            %slice3A_241 = vector.extract_strided_slice %get3A_149 {offsets = [2], sizes = [1], strides = [1]} : vector<16xf32> to vector<1xf32>
            %squeeze3A_242 = vector.extract %slice3A_241[0] : f32 from vector<1xf32>
            %add3A_243 = vector.broadcast %squeeze3A_242 : f32 to vector<16xf32>
            %add3A_244 = arith.addf %broadcast_in_dim3A_5, %add3A_243 : vector<16xf32>
            %swap3A_245 = arith.index_cast %min3A_205 : i32 to index
            %swap3A_246 = tpu.vector_load %arg22[%swap3A_245] {strides = array<i32>} : memref<2064xf32, #tpu.memory_space<vmem>>, vector<16xf32>,
            %swap3A_247 = vector.shape_cast %swap3A_246 : vector<16xf32> to vector<16xf32>
            %swap3A_248 = vector.shape_cast %add3A_244 : vector<16xf32> to vector<16xf32>
            tpu.vector_store %arg22[%swap3A_245], %swap3A_248 {strides = array<i32>} : memref<2064xf32, #tpu.memory_space<vmem>>, vector<16xf32>,
            %slice3A_249 = vector.extract_strided_slice %get3A_152 {offsets = [2], sizes = [1], strides = [1]} : vector<16xf32> to vector<1xf32>
            %squeeze3A_250 = vector.extract %slice3A_249[0] : f32 from vector<1xf32>
            %add3A_251 = vector.broadcast %squeeze3A_250 : f32 to vector<16xf32>
            %add3A_252 = arith.addf %broadcast_in_dim3A_5, %add3A_251 : vector<16xf32>
            %swap3A_253 = arith.index_cast %min3A_205 : i32 to index
            %swap3A_254 = tpu.vector_load %arg23[%swap3A_253] {strides = array<i32>} : memref<2064xf32, #tpu.memory_space<vmem>>, vector<16xf32>,
            %swap3A_255 = vector.shape_cast %swap3A_254 : vector<16xf32> to vector<16xf32>
            %swap3A_256 = vector.shape_cast %add3A_252 : vector<16xf32> to vector<16xf32>
            tpu.vector_store %arg23[%swap3A_253], %swap3A_256 {strides = array<i32>} : memref<2064xf32, #tpu.memory_space<vmem>>, vector<16xf32>,
          } else {
          }
          %convert_element_type3A_164 = arith.extui %gt3A_57 : i1 to i32
          %cond3A_165 = arith.constant 0 : i32
          %cond3A_166 = arith.cmpi ne, %convert_element_type3A_164, %cond3A_165 : i32
          scf.if %cond3A_166 {
            %add3A_203 = arith.addi %min3A_154, %add3A_123 : i32
            %min3A_204 = arith.constant 2047 : i32
            %min3A_205 = arith.minsi %add3A_203, %min3A_204 : i32
            %slice3A_206 = vector.extract_strided_slice %get3A_44 {offsets = [3], sizes = [1], strides = [1]} : vector<16xf32> to vector<1xf32>
            %squeeze3A_207 = vector.extract %slice3A_206[0] : f32 from vector<1xf32>
            %add3A_208 = vector.broadcast %squeeze3A_207 : f32 to vector<16xf32>
            %add3A_209 = arith.addf %broadcast_in_dim3A_5, %add3A_208 : vector<16xf32>
            %swap3A_210 = arith.index_cast %min3A_205 : i32 to index
            %swap3A_211 = tpu.vector_load %arg18[%swap3A_210] {strides = array<i32>} : memref<2064xf32, #tpu.memory_space<vmem>>, vector<16xf32>,
            %swap3A_212 = vector.shape_cast %swap3A_211 : vector<16xf32> to vector<16xf32>
            %swap3A_213 = vector.shape_cast %add3A_209 : vector<16xf32> to vector<16xf32>
            tpu.vector_store %arg18[%swap3A_210], %swap3A_213 {strides = array<i32>} : memref<2064xf32, #tpu.memory_space<vmem>>, vector<16xf32>,
            %mul3A_214 = arith.constant 16 : i32
            %mul3A_215 = arith.muli %scan3A_39, %mul3A_214 : i32
            %add3A_216 = arith.addi %add3A_30, %mul3A_215 : i32
            %add3A_217 = arith.constant 3 : i32
            %add3A_218 = arith.addi %add3A_216, %add3A_217 : i32
            %add3A_219 = vector.broadcast %add3A_218 : i32 to vector<16xi32>
            %add3A_220 = arith.addi %broadcast_in_dim3A_7, %add3A_219 : vector<16xi32>
            %swap3A_221 = arith.index_cast %min3A_205 : i32 to index
            %swap3A_222 = tpu.vector_load %arg19[%swap3A_221] {strides = array<i32>} : memref<2064xi32, #tpu.memory_space<vmem>>, vector<16xi32>,
            %swap3A_223 = vector.shape_cast %swap3A_222 : vector<16xi32> to vector<16xi32>
            %swap3A_224 = vector.shape_cast %add3A_220 : vector<16xi32> to vector<16xi32>
            tpu.vector_store %arg19[%swap3A_221], %swap3A_224 {strides = array<i32>} : memref<2064xi32, #tpu.memory_space<vmem>>, vector<16xi32>,
            %slice3A_225 = vector.extract_strided_slice %get3A_143 {offsets = [3], sizes = [1], strides = [1]} : vector<16xf32> to vector<1xf32>
            %squeeze3A_226 = vector.extract %slice3A_225[0] : f32 from vector<1xf32>
            %add3A_227 = vector.broadcast %squeeze3A_226 : f32 to vector<16xf32>
            %add3A_228 = arith.addf %broadcast_in_dim3A_5, %add3A_227 : vector<16xf32>
            %swap3A_229 = arith.index_cast %min3A_205 : i32 to index
            %swap3A_230 = tpu.vector_load %arg20[%swap3A_229] {strides = array<i32>} : memref<2064xf32, #tpu.memory_space<vmem>>, vector<16xf32>,
            %swap3A_231 = vector.shape_cast %swap3A_230 : vector<16xf32> to vector<16xf32>
            %swap3A_232 = vector.shape_cast %add3A_228 : vector<16xf32> to vector<16xf32>
            tpu.vector_store %arg20[%swap3A_229], %swap3A_232 {strides = array<i32>} : memref<2064xf32, #tpu.memory_space<vmem>>, vector<16xf32>,
            %slice3A_233 = vector.extract_strided_slice %get3A_146 {offsets = [3], sizes = [1], strides = [1]} : vector<16xf32> to vector<1xf32>
            %squeeze3A_234 = vector.extract %slice3A_233[0] : f32 from vector<1xf32>
            %add3A_235 = vector.broadcast %squeeze3A_234 : f32 to vector<16xf32>
            %add3A_236 = arith.addf %broadcast_in_dim3A_5, %add3A_235 : vector<16xf32>
            %swap3A_237 = arith.index_cast %min3A_205 : i32 to index
            %swap3A_238 = tpu.vector_load %arg21[%swap3A_237] {strides = array<i32>} : memref<2064xf32, #tpu.memory_space<vmem>>, vector<16xf32>,
            %swap3A_239 = vector.shape_cast %swap3A_238 : vector<16xf32> to vector<16xf32>
            %swap3A_240 = vector.shape_cast %add3A_236 : vector<16xf32> to vector<16xf32>
            tpu.vector_store %arg21[%swap3A_237], %swap3A_240 {strides = array<i32>} : memref<2064xf32, #tpu.memory_space<vmem>>, vector<16xf32>,
            %slice3A_241 = vector.extract_strided_slice %get3A_149 {offsets = [3], sizes = [1], strides = [1]} : vector<16xf32> to vector<1xf32>
            %squeeze3A_242 = vector.extract %slice3A_241[0] : f32 from vector<1xf32>
            %add3A_243 = vector.broadcast %squeeze3A_242 : f32 to vector<16xf32>
            %add3A_244 = arith.addf %broadcast_in_dim3A_5, %add3A_243 : vector<16xf32>
            %swap3A_245 = arith.index_cast %min3A_205 : i32 to index
            %swap3A_246 = tpu.vector_load %arg22[%swap3A_245] {strides = array<i32>} : memref<2064xf32, #tpu.memory_space<vmem>>, vector<16xf32>,
            %swap3A_247 = vector.shape_cast %swap3A_246 : vector<16xf32> to vector<16xf32>
            %swap3A_248 = vector.shape_cast %add3A_244 : vector<16xf32> to vector<16xf32>
            tpu.vector_store %arg22[%swap3A_245], %swap3A_248 {strides = array<i32>} : memref<2064xf32, #tpu.memory_space<vmem>>, vector<16xf32>,
            %slice3A_249 = vector.extract_strided_slice %get3A_152 {offsets = [3], sizes = [1], strides = [1]} : vector<16xf32> to vector<1xf32>
            %squeeze3A_250 = vector.extract %slice3A_249[0] : f32 from vector<1xf32>
            %add3A_251 = vector.broadcast %squeeze3A_250 : f32 to vector<16xf32>
            %add3A_252 = arith.addf %broadcast_in_dim3A_5, %add3A_251 : vector<16xf32>
            %swap3A_253 = arith.index_cast %min3A_205 : i32 to index
            %swap3A_254 = tpu.vector_load %arg23[%swap3A_253] {strides = array<i32>} : memref<2064xf32, #tpu.memory_space<vmem>>, vector<16xf32>,
            %swap3A_255 = vector.shape_cast %swap3A_254 : vector<16xf32> to vector<16xf32>
            %swap3A_256 = vector.shape_cast %add3A_252 : vector<16xf32> to vector<16xf32>
            tpu.vector_store %arg23[%swap3A_253], %swap3A_256 {strides = array<i32>} : memref<2064xf32, #tpu.memory_space<vmem>>, vector<16xf32>,
          } else {
          }
          %convert_element_type3A_167 = arith.extui %gt3A_61 : i1 to i32
          %cond3A_168 = arith.constant 0 : i32
          %cond3A_169 = arith.cmpi ne, %convert_element_type3A_167, %cond3A_168 : i32
          scf.if %cond3A_169 {
            %add3A_203 = arith.addi %min3A_154, %add3A_124 : i32
            %min3A_204 = arith.constant 2047 : i32
            %min3A_205 = arith.minsi %add3A_203, %min3A_204 : i32
            %slice3A_206 = vector.extract_strided_slice %get3A_44 {offsets = [4], sizes = [1], strides = [1]} : vector<16xf32> to vector<1xf32>
            %squeeze3A_207 = vector.extract %slice3A_206[0] : f32 from vector<1xf32>
            %add3A_208 = vector.broadcast %squeeze3A_207 : f32 to vector<16xf32>
            %add3A_209 = arith.addf %broadcast_in_dim3A_5, %add3A_208 : vector<16xf32>
            %swap3A_210 = arith.index_cast %min3A_205 : i32 to index
            %swap3A_211 = tpu.vector_load %arg18[%swap3A_210] {strides = array<i32>} : memref<2064xf32, #tpu.memory_space<vmem>>, vector<16xf32>,
            %swap3A_212 = vector.shape_cast %swap3A_211 : vector<16xf32> to vector<16xf32>
            %swap3A_213 = vector.shape_cast %add3A_209 : vector<16xf32> to vector<16xf32>
            tpu.vector_store %arg18[%swap3A_210], %swap3A_213 {strides = array<i32>} : memref<2064xf32, #tpu.memory_space<vmem>>, vector<16xf32>,
            %mul3A_214 = arith.constant 16 : i32
            %mul3A_215 = arith.muli %scan3A_39, %mul3A_214 : i32
            %add3A_216 = arith.addi %add3A_30, %mul3A_215 : i32
            %add3A_217 = arith.constant 4 : i32
            %add3A_218 = arith.addi %add3A_216, %add3A_217 : i32
            %add3A_219 = vector.broadcast %add3A_218 : i32 to vector<16xi32>
            %add3A_220 = arith.addi %broadcast_in_dim3A_7, %add3A_219 : vector<16xi32>
            %swap3A_221 = arith.index_cast %min3A_205 : i32 to index
            %swap3A_222 = tpu.vector_load %arg19[%swap3A_221] {strides = array<i32>} : memref<2064xi32, #tpu.memory_space<vmem>>, vector<16xi32>,
            %swap3A_223 = vector.shape_cast %swap3A_222 : vector<16xi32> to vector<16xi32>
            %swap3A_224 = vector.shape_cast %add3A_220 : vector<16xi32> to vector<16xi32>
            tpu.vector_store %arg19[%swap3A_221], %swap3A_224 {strides = array<i32>} : memref<2064xi32, #tpu.memory_space<vmem>>, vector<16xi32>,
            %slice3A_225 = vector.extract_strided_slice %get3A_143 {offsets = [4], sizes = [1], strides = [1]} : vector<16xf32> to vector<1xf32>
            %squeeze3A_226 = vector.extract %slice3A_225[0] : f32 from vector<1xf32>
            %add3A_227 = vector.broadcast %squeeze3A_226 : f32 to vector<16xf32>
            %add3A_228 = arith.addf %broadcast_in_dim3A_5, %add3A_227 : vector<16xf32>
            %swap3A_229 = arith.index_cast %min3A_205 : i32 to index
            %swap3A_230 = tpu.vector_load %arg20[%swap3A_229] {strides = array<i32>} : memref<2064xf32, #tpu.memory_space<vmem>>, vector<16xf32>,
            %swap3A_231 = vector.shape_cast %swap3A_230 : vector<16xf32> to vector<16xf32>
            %swap3A_232 = vector.shape_cast %add3A_228 : vector<16xf32> to vector<16xf32>
            tpu.vector_store %arg20[%swap3A_229], %swap3A_232 {strides = array<i32>} : memref<2064xf32, #tpu.memory_space<vmem>>, vector<16xf32>,
            %slice3A_233 = vector.extract_strided_slice %get3A_146 {offsets = [4], sizes = [1], strides = [1]} : vector<16xf32> to vector<1xf32>
            %squeeze3A_234 = vector.extract %slice3A_233[0] : f32 from vector<1xf32>
            %add3A_235 = vector.broadcast %squeeze3A_234 : f32 to vector<16xf32>
            %add3A_236 = arith.addf %broadcast_in_dim3A_5, %add3A_235 : vector<16xf32>
            %swap3A_237 = arith.index_cast %min3A_205 : i32 to index
            %swap3A_238 = tpu.vector_load %arg21[%swap3A_237] {strides = array<i32>} : memref<2064xf32, #tpu.memory_space<vmem>>, vector<16xf32>,
            %swap3A_239 = vector.shape_cast %swap3A_238 : vector<16xf32> to vector<16xf32>
            %swap3A_240 = vector.shape_cast %add3A_236 : vector<16xf32> to vector<16xf32>
            tpu.vector_store %arg21[%swap3A_237], %swap3A_240 {strides = array<i32>} : memref<2064xf32, #tpu.memory_space<vmem>>, vector<16xf32>,
            %slice3A_241 = vector.extract_strided_slice %get3A_149 {offsets = [4], sizes = [1], strides = [1]} : vector<16xf32> to vector<1xf32>
            %squeeze3A_242 = vector.extract %slice3A_241[0] : f32 from vector<1xf32>
            %add3A_243 = vector.broadcast %squeeze3A_242 : f32 to vector<16xf32>
            %add3A_244 = arith.addf %broadcast_in_dim3A_5, %add3A_243 : vector<16xf32>
            %swap3A_245 = arith.index_cast %min3A_205 : i32 to index
            %swap3A_246 = tpu.vector_load %arg22[%swap3A_245] {strides = array<i32>} : memref<2064xf32, #tpu.memory_space<vmem>>, vector<16xf32>,
            %swap3A_247 = vector.shape_cast %swap3A_246 : vector<16xf32> to vector<16xf32>
            %swap3A_248 = vector.shape_cast %add3A_244 : vector<16xf32> to vector<16xf32>
            tpu.vector_store %arg22[%swap3A_245], %swap3A_248 {strides = array<i32>} : memref<2064xf32, #tpu.memory_space<vmem>>, vector<16xf32>,
            %slice3A_249 = vector.extract_strided_slice %get3A_152 {offsets = [4], sizes = [1], strides = [1]} : vector<16xf32> to vector<1xf32>
            %squeeze3A_250 = vector.extract %slice3A_249[0] : f32 from vector<1xf32>
            %add3A_251 = vector.broadcast %squeeze3A_250 : f32 to vector<16xf32>
            %add3A_252 = arith.addf %broadcast_in_dim3A_5, %add3A_251 : vector<16xf32>
            %swap3A_253 = arith.index_cast %min3A_205 : i32 to index
            %swap3A_254 = tpu.vector_load %arg23[%swap3A_253] {strides = array<i32>} : memref<2064xf32, #tpu.memory_space<vmem>>, vector<16xf32>,
            %swap3A_255 = vector.shape_cast %swap3A_254 : vector<16xf32> to vector<16xf32>
            %swap3A_256 = vector.shape_cast %add3A_252 : vector<16xf32> to vector<16xf32>
            tpu.vector_store %arg23[%swap3A_253], %swap3A_256 {strides = array<i32>} : memref<2064xf32, #tpu.memory_space<vmem>>, vector<16xf32>,
          } else {
          }
          %convert_element_type3A_170 = arith.extui %gt3A_65 : i1 to i32
          %cond3A_171 = arith.constant 0 : i32
          %cond3A_172 = arith.cmpi ne, %convert_element_type3A_170, %cond3A_171 : i32
          scf.if %cond3A_172 {
            %add3A_203 = arith.addi %min3A_154, %add3A_125 : i32
            %min3A_204 = arith.constant 2047 : i32
            %min3A_205 = arith.minsi %add3A_203, %min3A_204 : i32
            %slice3A_206 = vector.extract_strided_slice %get3A_44 {offsets = [5], sizes = [1], strides = [1]} : vector<16xf32> to vector<1xf32>
            %squeeze3A_207 = vector.extract %slice3A_206[0] : f32 from vector<1xf32>
            %add3A_208 = vector.broadcast %squeeze3A_207 : f32 to vector<16xf32>
            %add3A_209 = arith.addf %broadcast_in_dim3A_5, %add3A_208 : vector<16xf32>
            %swap3A_210 = arith.index_cast %min3A_205 : i32 to index
            %swap3A_211 = tpu.vector_load %arg18[%swap3A_210] {strides = array<i32>} : memref<2064xf32, #tpu.memory_space<vmem>>, vector<16xf32>,
            %swap3A_212 = vector.shape_cast %swap3A_211 : vector<16xf32> to vector<16xf32>
            %swap3A_213 = vector.shape_cast %add3A_209 : vector<16xf32> to vector<16xf32>
            tpu.vector_store %arg18[%swap3A_210], %swap3A_213 {strides = array<i32>} : memref<2064xf32, #tpu.memory_space<vmem>>, vector<16xf32>,
            %mul3A_214 = arith.constant 16 : i32
            %mul3A_215 = arith.muli %scan3A_39, %mul3A_214 : i32
            %add3A_216 = arith.addi %add3A_30, %mul3A_215 : i32
            %add3A_217 = arith.constant 5 : i32
            %add3A_218 = arith.addi %add3A_216, %add3A_217 : i32
            %add3A_219 = vector.broadcast %add3A_218 : i32 to vector<16xi32>
            %add3A_220 = arith.addi %broadcast_in_dim3A_7, %add3A_219 : vector<16xi32>
            %swap3A_221 = arith.index_cast %min3A_205 : i32 to index
            %swap3A_222 = tpu.vector_load %arg19[%swap3A_221] {strides = array<i32>} : memref<2064xi32, #tpu.memory_space<vmem>>, vector<16xi32>,
            %swap3A_223 = vector.shape_cast %swap3A_222 : vector<16xi32> to vector<16xi32>
            %swap3A_224 = vector.shape_cast %add3A_220 : vector<16xi32> to vector<16xi32>
            tpu.vector_store %arg19[%swap3A_221], %swap3A_224 {strides = array<i32>} : memref<2064xi32, #tpu.memory_space<vmem>>, vector<16xi32>,
            %slice3A_225 = vector.extract_strided_slice %get3A_143 {offsets = [5], sizes = [1], strides = [1]} : vector<16xf32> to vector<1xf32>
            %squeeze3A_226 = vector.extract %slice3A_225[0] : f32 from vector<1xf32>
            %add3A_227 = vector.broadcast %squeeze3A_226 : f32 to vector<16xf32>
            %add3A_228 = arith.addf %broadcast_in_dim3A_5, %add3A_227 : vector<16xf32>
            %swap3A_229 = arith.index_cast %min3A_205 : i32 to index
            %swap3A_230 = tpu.vector_load %arg20[%swap3A_229] {strides = array<i32>} : memref<2064xf32, #tpu.memory_space<vmem>>, vector<16xf32>,
            %swap3A_231 = vector.shape_cast %swap3A_230 : vector<16xf32> to vector<16xf32>
            %swap3A_232 = vector.shape_cast %add3A_228 : vector<16xf32> to vector<16xf32>
            tpu.vector_store %arg20[%swap3A_229], %swap3A_232 {strides = array<i32>} : memref<2064xf32, #tpu.memory_space<vmem>>, vector<16xf32>,
            %slice3A_233 = vector.extract_strided_slice %get3A_146 {offsets = [5], sizes = [1], strides = [1]} : vector<16xf32> to vector<1xf32>
            %squeeze3A_234 = vector.extract %slice3A_233[0] : f32 from vector<1xf32>
            %add3A_235 = vector.broadcast %squeeze3A_234 : f32 to vector<16xf32>
            %add3A_236 = arith.addf %broadcast_in_dim3A_5, %add3A_235 : vector<16xf32>
            %swap3A_237 = arith.index_cast %min3A_205 : i32 to index
            %swap3A_238 = tpu.vector_load %arg21[%swap3A_237] {strides = array<i32>} : memref<2064xf32, #tpu.memory_space<vmem>>, vector<16xf32>,
            %swap3A_239 = vector.shape_cast %swap3A_238 : vector<16xf32> to vector<16xf32>
            %swap3A_240 = vector.shape_cast %add3A_236 : vector<16xf32> to vector<16xf32>
            tpu.vector_store %arg21[%swap3A_237], %swap3A_240 {strides = array<i32>} : memref<2064xf32, #tpu.memory_space<vmem>>, vector<16xf32>,
            %slice3A_241 = vector.extract_strided_slice %get3A_149 {offsets = [5], sizes = [1], strides = [1]} : vector<16xf32> to vector<1xf32>
            %squeeze3A_242 = vector.extract %slice3A_241[0] : f32 from vector<1xf32>
            %add3A_243 = vector.broadcast %squeeze3A_242 : f32 to vector<16xf32>
            %add3A_244 = arith.addf %broadcast_in_dim3A_5, %add3A_243 : vector<16xf32>
            %swap3A_245 = arith.index_cast %min3A_205 : i32 to index
            %swap3A_246 = tpu.vector_load %arg22[%swap3A_245] {strides = array<i32>} : memref<2064xf32, #tpu.memory_space<vmem>>, vector<16xf32>,
            %swap3A_247 = vector.shape_cast %swap3A_246 : vector<16xf32> to vector<16xf32>
            %swap3A_248 = vector.shape_cast %add3A_244 : vector<16xf32> to vector<16xf32>
            tpu.vector_store %arg22[%swap3A_245], %swap3A_248 {strides = array<i32>} : memref<2064xf32, #tpu.memory_space<vmem>>, vector<16xf32>,
            %slice3A_249 = vector.extract_strided_slice %get3A_152 {offsets = [5], sizes = [1], strides = [1]} : vector<16xf32> to vector<1xf32>
            %squeeze3A_250 = vector.extract %slice3A_249[0] : f32 from vector<1xf32>
            %add3A_251 = vector.broadcast %squeeze3A_250 : f32 to vector<16xf32>
            %add3A_252 = arith.addf %broadcast_in_dim3A_5, %add3A_251 : vector<16xf32>
            %swap3A_253 = arith.index_cast %min3A_205 : i32 to index
            %swap3A_254 = tpu.vector_load %arg23[%swap3A_253] {strides = array<i32>} : memref<2064xf32, #tpu.memory_space<vmem>>, vector<16xf32>,
            %swap3A_255 = vector.shape_cast %swap3A_254 : vector<16xf32> to vector<16xf32>
            %swap3A_256 = vector.shape_cast %add3A_252 : vector<16xf32> to vector<16xf32>
            tpu.vector_store %arg23[%swap3A_253], %swap3A_256 {strides = array<i32>} : memref<2064xf32, #tpu.memory_space<vmem>>, vector<16xf32>,
          } else {
          }
          %convert_element_type3A_173 = arith.extui %gt3A_69 : i1 to i32
          %cond3A_174 = arith.constant 0 : i32
          %cond3A_175 = arith.cmpi ne, %convert_element_type3A_173, %cond3A_174 : i32
          scf.if %cond3A_175 {
            %add3A_203 = arith.addi %min3A_154, %add3A_126 : i32
            %min3A_204 = arith.constant 2047 : i32
            %min3A_205 = arith.minsi %add3A_203, %min3A_204 : i32
            %slice3A_206 = vector.extract_strided_slice %get3A_44 {offsets = [6], sizes = [1], strides = [1]} : vector<16xf32> to vector<1xf32>
            %squeeze3A_207 = vector.extract %slice3A_206[0] : f32 from vector<1xf32>
            %add3A_208 = vector.broadcast %squeeze3A_207 : f32 to vector<16xf32>
            %add3A_209 = arith.addf %broadcast_in_dim3A_5, %add3A_208 : vector<16xf32>
            %swap3A_210 = arith.index_cast %min3A_205 : i32 to index
            %swap3A_211 = tpu.vector_load %arg18[%swap3A_210] {strides = array<i32>} : memref<2064xf32, #tpu.memory_space<vmem>>, vector<16xf32>,
            %swap3A_212 = vector.shape_cast %swap3A_211 : vector<16xf32> to vector<16xf32>
            %swap3A_213 = vector.shape_cast %add3A_209 : vector<16xf32> to vector<16xf32>
            tpu.vector_store %arg18[%swap3A_210], %swap3A_213 {strides = array<i32>} : memref<2064xf32, #tpu.memory_space<vmem>>, vector<16xf32>,
            %mul3A_214 = arith.constant 16 : i32
            %mul3A_215 = arith.muli %scan3A_39, %mul3A_214 : i32
            %add3A_216 = arith.addi %add3A_30, %mul3A_215 : i32
            %add3A_217 = arith.constant 6 : i32
            %add3A_218 = arith.addi %add3A_216, %add3A_217 : i32
            %add3A_219 = vector.broadcast %add3A_218 : i32 to vector<16xi32>
            %add3A_220 = arith.addi %broadcast_in_dim3A_7, %add3A_219 : vector<16xi32>
            %swap3A_221 = arith.index_cast %min3A_205 : i32 to index
            %swap3A_222 = tpu.vector_load %arg19[%swap3A_221] {strides = array<i32>} : memref<2064xi32, #tpu.memory_space<vmem>>, vector<16xi32>,
            %swap3A_223 = vector.shape_cast %swap3A_222 : vector<16xi32> to vector<16xi32>
            %swap3A_224 = vector.shape_cast %add3A_220 : vector<16xi32> to vector<16xi32>
            tpu.vector_store %arg19[%swap3A_221], %swap3A_224 {strides = array<i32>} : memref<2064xi32, #tpu.memory_space<vmem>>, vector<16xi32>,
            %slice3A_225 = vector.extract_strided_slice %get3A_143 {offsets = [6], sizes = [1], strides = [1]} : vector<16xf32> to vector<1xf32>
            %squeeze3A_226 = vector.extract %slice3A_225[0] : f32 from vector<1xf32>
            %add3A_227 = vector.broadcast %squeeze3A_226 : f32 to vector<16xf32>
            %add3A_228 = arith.addf %broadcast_in_dim3A_5, %add3A_227 : vector<16xf32>
            %swap3A_229 = arith.index_cast %min3A_205 : i32 to index
            %swap3A_230 = tpu.vector_load %arg20[%swap3A_229] {strides = array<i32>} : memref<2064xf32, #tpu.memory_space<vmem>>, vector<16xf32>,
            %swap3A_231 = vector.shape_cast %swap3A_230 : vector<16xf32> to vector<16xf32>
            %swap3A_232 = vector.shape_cast %add3A_228 : vector<16xf32> to vector<16xf32>
            tpu.vector_store %arg20[%swap3A_229], %swap3A_232 {strides = array<i32>} : memref<2064xf32, #tpu.memory_space<vmem>>, vector<16xf32>,
            %slice3A_233 = vector.extract_strided_slice %get3A_146 {offsets = [6], sizes = [1], strides = [1]} : vector<16xf32> to vector<1xf32>
            %squeeze3A_234 = vector.extract %slice3A_233[0] : f32 from vector<1xf32>
            %add3A_235 = vector.broadcast %squeeze3A_234 : f32 to vector<16xf32>
            %add3A_236 = arith.addf %broadcast_in_dim3A_5, %add3A_235 : vector<16xf32>
            %swap3A_237 = arith.index_cast %min3A_205 : i32 to index
            %swap3A_238 = tpu.vector_load %arg21[%swap3A_237] {strides = array<i32>} : memref<2064xf32, #tpu.memory_space<vmem>>, vector<16xf32>,
            %swap3A_239 = vector.shape_cast %swap3A_238 : vector<16xf32> to vector<16xf32>
            %swap3A_240 = vector.shape_cast %add3A_236 : vector<16xf32> to vector<16xf32>
            tpu.vector_store %arg21[%swap3A_237], %swap3A_240 {strides = array<i32>} : memref<2064xf32, #tpu.memory_space<vmem>>, vector<16xf32>,
            %slice3A_241 = vector.extract_strided_slice %get3A_149 {offsets = [6], sizes = [1], strides = [1]} : vector<16xf32> to vector<1xf32>
            %squeeze3A_242 = vector.extract %slice3A_241[0] : f32 from vector<1xf32>
            %add3A_243 = vector.broadcast %squeeze3A_242 : f32 to vector<16xf32>
            %add3A_244 = arith.addf %broadcast_in_dim3A_5, %add3A_243 : vector<16xf32>
            %swap3A_245 = arith.index_cast %min3A_205 : i32 to index
            %swap3A_246 = tpu.vector_load %arg22[%swap3A_245] {strides = array<i32>} : memref<2064xf32, #tpu.memory_space<vmem>>, vector<16xf32>,
            %swap3A_247 = vector.shape_cast %swap3A_246 : vector<16xf32> to vector<16xf32>
            %swap3A_248 = vector.shape_cast %add3A_244 : vector<16xf32> to vector<16xf32>
            tpu.vector_store %arg22[%swap3A_245], %swap3A_248 {strides = array<i32>} : memref<2064xf32, #tpu.memory_space<vmem>>, vector<16xf32>,
            %slice3A_249 = vector.extract_strided_slice %get3A_152 {offsets = [6], sizes = [1], strides = [1]} : vector<16xf32> to vector<1xf32>
            %squeeze3A_250 = vector.extract %slice3A_249[0] : f32 from vector<1xf32>
            %add3A_251 = vector.broadcast %squeeze3A_250 : f32 to vector<16xf32>
            %add3A_252 = arith.addf %broadcast_in_dim3A_5, %add3A_251 : vector<16xf32>
            %swap3A_253 = arith.index_cast %min3A_205 : i32 to index
            %swap3A_254 = tpu.vector_load %arg23[%swap3A_253] {strides = array<i32>} : memref<2064xf32, #tpu.memory_space<vmem>>, vector<16xf32>,
            %swap3A_255 = vector.shape_cast %swap3A_254 : vector<16xf32> to vector<16xf32>
            %swap3A_256 = vector.shape_cast %add3A_252 : vector<16xf32> to vector<16xf32>
            tpu.vector_store %arg23[%swap3A_253], %swap3A_256 {strides = array<i32>} : memref<2064xf32, #tpu.memory_space<vmem>>, vector<16xf32>,
          } else {
          }
          %convert_element_type3A_176 = arith.extui %gt3A_73 : i1 to i32
          %cond3A_177 = arith.constant 0 : i32
          %cond3A_178 = arith.cmpi ne, %convert_element_type3A_176, %cond3A_177 : i32
          scf.if %cond3A_178 {
            %add3A_203 = arith.addi %min3A_154, %add3A_127 : i32
            %min3A_204 = arith.constant 2047 : i32
            %min3A_205 = arith.minsi %add3A_203, %min3A_204 : i32
            %slice3A_206 = vector.extract_strided_slice %get3A_44 {offsets = [7], sizes = [1], strides = [1]} : vector<16xf32> to vector<1xf32>
            %squeeze3A_207 = vector.extract %slice3A_206[0] : f32 from vector<1xf32>
            %add3A_208 = vector.broadcast %squeeze3A_207 : f32 to vector<16xf32>
            %add3A_209 = arith.addf %broadcast_in_dim3A_5, %add3A_208 : vector<16xf32>
            %swap3A_210 = arith.index_cast %min3A_205 : i32 to index
            %swap3A_211 = tpu.vector_load %arg18[%swap3A_210] {strides = array<i32>} : memref<2064xf32, #tpu.memory_space<vmem>>, vector<16xf32>,
            %swap3A_212 = vector.shape_cast %swap3A_211 : vector<16xf32> to vector<16xf32>
            %swap3A_213 = vector.shape_cast %add3A_209 : vector<16xf32> to vector<16xf32>
            tpu.vector_store %arg18[%swap3A_210], %swap3A_213 {strides = array<i32>} : memref<2064xf32, #tpu.memory_space<vmem>>, vector<16xf32>,
            %mul3A_214 = arith.constant 16 : i32
            %mul3A_215 = arith.muli %scan3A_39, %mul3A_214 : i32
            %add3A_216 = arith.addi %add3A_30, %mul3A_215 : i32
            %add3A_217 = arith.constant 7 : i32
            %add3A_218 = arith.addi %add3A_216, %add3A_217 : i32
            %add3A_219 = vector.broadcast %add3A_218 : i32 to vector<16xi32>
            %add3A_220 = arith.addi %broadcast_in_dim3A_7, %add3A_219 : vector<16xi32>
            %swap3A_221 = arith.index_cast %min3A_205 : i32 to index
            %swap3A_222 = tpu.vector_load %arg19[%swap3A_221] {strides = array<i32>} : memref<2064xi32, #tpu.memory_space<vmem>>, vector<16xi32>,
            %swap3A_223 = vector.shape_cast %swap3A_222 : vector<16xi32> to vector<16xi32>
            %swap3A_224 = vector.shape_cast %add3A_220 : vector<16xi32> to vector<16xi32>
            tpu.vector_store %arg19[%swap3A_221], %swap3A_224 {strides = array<i32>} : memref<2064xi32, #tpu.memory_space<vmem>>, vector<16xi32>,
            %slice3A_225 = vector.extract_strided_slice %get3A_143 {offsets = [7], sizes = [1], strides = [1]} : vector<16xf32> to vector<1xf32>
            %squeeze3A_226 = vector.extract %slice3A_225[0] : f32 from vector<1xf32>
            %add3A_227 = vector.broadcast %squeeze3A_226 : f32 to vector<16xf32>
            %add3A_228 = arith.addf %broadcast_in_dim3A_5, %add3A_227 : vector<16xf32>
            %swap3A_229 = arith.index_cast %min3A_205 : i32 to index
            %swap3A_230 = tpu.vector_load %arg20[%swap3A_229] {strides = array<i32>} : memref<2064xf32, #tpu.memory_space<vmem>>, vector<16xf32>,
            %swap3A_231 = vector.shape_cast %swap3A_230 : vector<16xf32> to vector<16xf32>
            %swap3A_232 = vector.shape_cast %add3A_228 : vector<16xf32> to vector<16xf32>
            tpu.vector_store %arg20[%swap3A_229], %swap3A_232 {strides = array<i32>} : memref<2064xf32, #tpu.memory_space<vmem>>, vector<16xf32>,
            %slice3A_233 = vector.extract_strided_slice %get3A_146 {offsets = [7], sizes = [1], strides = [1]} : vector<16xf32> to vector<1xf32>
            %squeeze3A_234 = vector.extract %slice3A_233[0] : f32 from vector<1xf32>
            %add3A_235 = vector.broadcast %squeeze3A_234 : f32 to vector<16xf32>
            %add3A_236 = arith.addf %broadcast_in_dim3A_5, %add3A_235 : vector<16xf32>
            %swap3A_237 = arith.index_cast %min3A_205 : i32 to index
            %swap3A_238 = tpu.vector_load %arg21[%swap3A_237] {strides = array<i32>} : memref<2064xf32, #tpu.memory_space<vmem>>, vector<16xf32>,
            %swap3A_239 = vector.shape_cast %swap3A_238 : vector<16xf32> to vector<16xf32>
            %swap3A_240 = vector.shape_cast %add3A_236 : vector<16xf32> to vector<16xf32>
            tpu.vector_store %arg21[%swap3A_237], %swap3A_240 {strides = array<i32>} : memref<2064xf32, #tpu.memory_space<vmem>>, vector<16xf32>,
            %slice3A_241 = vector.extract_strided_slice %get3A_149 {offsets = [7], sizes = [1], strides = [1]} : vector<16xf32> to vector<1xf32>
            %squeeze3A_242 = vector.extract %slice3A_241[0] : f32 from vector<1xf32>
            %add3A_243 = vector.broadcast %squeeze3A_242 : f32 to vector<16xf32>
            %add3A_244 = arith.addf %broadcast_in_dim3A_5, %add3A_243 : vector<16xf32>
            %swap3A_245 = arith.index_cast %min3A_205 : i32 to index
            %swap3A_246 = tpu.vector_load %arg22[%swap3A_245] {strides = array<i32>} : memref<2064xf32, #tpu.memory_space<vmem>>, vector<16xf32>,
            %swap3A_247 = vector.shape_cast %swap3A_246 : vector<16xf32> to vector<16xf32>
            %swap3A_248 = vector.shape_cast %add3A_244 : vector<16xf32> to vector<16xf32>
            tpu.vector_store %arg22[%swap3A_245], %swap3A_248 {strides = array<i32>} : memref<2064xf32, #tpu.memory_space<vmem>>, vector<16xf32>,
            %slice3A_249 = vector.extract_strided_slice %get3A_152 {offsets = [7], sizes = [1], strides = [1]} : vector<16xf32> to vector<1xf32>
            %squeeze3A_250 = vector.extract %slice3A_249[0] : f32 from vector<1xf32>
            %add3A_251 = vector.broadcast %squeeze3A_250 : f32 to vector<16xf32>
            %add3A_252 = arith.addf %broadcast_in_dim3A_5, %add3A_251 : vector<16xf32>
            %swap3A_253 = arith.index_cast %min3A_205 : i32 to index
            %swap3A_254 = tpu.vector_load %arg23[%swap3A_253] {strides = array<i32>} : memref<2064xf32, #tpu.memory_space<vmem>>, vector<16xf32>,
            %swap3A_255 = vector.shape_cast %swap3A_254 : vector<16xf32> to vector<16xf32>
            %swap3A_256 = vector.shape_cast %add3A_252 : vector<16xf32> to vector<16xf32>
            tpu.vector_store %arg23[%swap3A_253], %swap3A_256 {strides = array<i32>} : memref<2064xf32, #tpu.memory_space<vmem>>, vector<16xf32>,
          } else {
          }
          %convert_element_type3A_179 = arith.extui %gt3A_77 : i1 to i32
          %cond3A_180 = arith.constant 0 : i32
          %cond3A_181 = arith.cmpi ne, %convert_element_type3A_179, %cond3A_180 : i32
          scf.if %cond3A_181 {
            %add3A_203 = arith.addi %min3A_154, %add3A_128 : i32
            %min3A_204 = arith.constant 2047 : i32
            %min3A_205 = arith.minsi %add3A_203, %min3A_204 : i32
            %slice3A_206 = vector.extract_strided_slice %get3A_44 {offsets = [8], sizes = [1], strides = [1]} : vector<16xf32> to vector<1xf32>
            %squeeze3A_207 = vector.extract %slice3A_206[0] : f32 from vector<1xf32>
            %add3A_208 = vector.broadcast %squeeze3A_207 : f32 to vector<16xf32>
            %add3A_209 = arith.addf %broadcast_in_dim3A_5, %add3A_208 : vector<16xf32>
            %swap3A_210 = arith.index_cast %min3A_205 : i32 to index
            %swap3A_211 = tpu.vector_load %arg18[%swap3A_210] {strides = array<i32>} : memref<2064xf32, #tpu.memory_space<vmem>>, vector<16xf32>,
            %swap3A_212 = vector.shape_cast %swap3A_211 : vector<16xf32> to vector<16xf32>
            %swap3A_213 = vector.shape_cast %add3A_209 : vector<16xf32> to vector<16xf32>
            tpu.vector_store %arg18[%swap3A_210], %swap3A_213 {strides = array<i32>} : memref<2064xf32, #tpu.memory_space<vmem>>, vector<16xf32>,
            %mul3A_214 = arith.constant 16 : i32
            %mul3A_215 = arith.muli %scan3A_39, %mul3A_214 : i32
            %add3A_216 = arith.addi %add3A_30, %mul3A_215 : i32
            %add3A_217 = arith.constant 8 : i32
            %add3A_218 = arith.addi %add3A_216, %add3A_217 : i32
            %add3A_219 = vector.broadcast %add3A_218 : i32 to vector<16xi32>
            %add3A_220 = arith.addi %broadcast_in_dim3A_7, %add3A_219 : vector<16xi32>
            %swap3A_221 = arith.index_cast %min3A_205 : i32 to index
            %swap3A_222 = tpu.vector_load %arg19[%swap3A_221] {strides = array<i32>} : memref<2064xi32, #tpu.memory_space<vmem>>, vector<16xi32>,
            %swap3A_223 = vector.shape_cast %swap3A_222 : vector<16xi32> to vector<16xi32>
            %swap3A_224 = vector.shape_cast %add3A_220 : vector<16xi32> to vector<16xi32>
            tpu.vector_store %arg19[%swap3A_221], %swap3A_224 {strides = array<i32>} : memref<2064xi32, #tpu.memory_space<vmem>>, vector<16xi32>,
            %slice3A_225 = vector.extract_strided_slice %get3A_143 {offsets = [8], sizes = [1], strides = [1]} : vector<16xf32> to vector<1xf32>
            %squeeze3A_226 = vector.extract %slice3A_225[0] : f32 from vector<1xf32>
            %add3A_227 = vector.broadcast %squeeze3A_226 : f32 to vector<16xf32>
            %add3A_228 = arith.addf %broadcast_in_dim3A_5, %add3A_227 : vector<16xf32>
            %swap3A_229 = arith.index_cast %min3A_205 : i32 to index
            %swap3A_230 = tpu.vector_load %arg20[%swap3A_229] {strides = array<i32>} : memref<2064xf32, #tpu.memory_space<vmem>>, vector<16xf32>,
            %swap3A_231 = vector.shape_cast %swap3A_230 : vector<16xf32> to vector<16xf32>
            %swap3A_232 = vector.shape_cast %add3A_228 : vector<16xf32> to vector<16xf32>
            tpu.vector_store %arg20[%swap3A_229], %swap3A_232 {strides = array<i32>} : memref<2064xf32, #tpu.memory_space<vmem>>, vector<16xf32>,
            %slice3A_233 = vector.extract_strided_slice %get3A_146 {offsets = [8], sizes = [1], strides = [1]} : vector<16xf32> to vector<1xf32>
            %squeeze3A_234 = vector.extract %slice3A_233[0] : f32 from vector<1xf32>
            %add3A_235 = vector.broadcast %squeeze3A_234 : f32 to vector<16xf32>
            %add3A_236 = arith.addf %broadcast_in_dim3A_5, %add3A_235 : vector<16xf32>
            %swap3A_237 = arith.index_cast %min3A_205 : i32 to index
            %swap3A_238 = tpu.vector_load %arg21[%swap3A_237] {strides = array<i32>} : memref<2064xf32, #tpu.memory_space<vmem>>, vector<16xf32>,
            %swap3A_239 = vector.shape_cast %swap3A_238 : vector<16xf32> to vector<16xf32>
            %swap3A_240 = vector.shape_cast %add3A_236 : vector<16xf32> to vector<16xf32>
            tpu.vector_store %arg21[%swap3A_237], %swap3A_240 {strides = array<i32>} : memref<2064xf32, #tpu.memory_space<vmem>>, vector<16xf32>,
            %slice3A_241 = vector.extract_strided_slice %get3A_149 {offsets = [8], sizes = [1], strides = [1]} : vector<16xf32> to vector<1xf32>
            %squeeze3A_242 = vector.extract %slice3A_241[0] : f32 from vector<1xf32>
            %add3A_243 = vector.broadcast %squeeze3A_242 : f32 to vector<16xf32>
            %add3A_244 = arith.addf %broadcast_in_dim3A_5, %add3A_243 : vector<16xf32>
            %swap3A_245 = arith.index_cast %min3A_205 : i32 to index
            %swap3A_246 = tpu.vector_load %arg22[%swap3A_245] {strides = array<i32>} : memref<2064xf32, #tpu.memory_space<vmem>>, vector<16xf32>,
            %swap3A_247 = vector.shape_cast %swap3A_246 : vector<16xf32> to vector<16xf32>
            %swap3A_248 = vector.shape_cast %add3A_244 : vector<16xf32> to vector<16xf32>
            tpu.vector_store %arg22[%swap3A_245], %swap3A_248 {strides = array<i32>} : memref<2064xf32, #tpu.memory_space<vmem>>, vector<16xf32>,
            %slice3A_249 = vector.extract_strided_slice %get3A_152 {offsets = [8], sizes = [1], strides = [1]} : vector<16xf32> to vector<1xf32>
            %squeeze3A_250 = vector.extract %slice3A_249[0] : f32 from vector<1xf32>
            %add3A_251 = vector.broadcast %squeeze3A_250 : f32 to vector<16xf32>
            %add3A_252 = arith.addf %broadcast_in_dim3A_5, %add3A_251 : vector<16xf32>
            %swap3A_253 = arith.index_cast %min3A_205 : i32 to index
            %swap3A_254 = tpu.vector_load %arg23[%swap3A_253] {strides = array<i32>} : memref<2064xf32, #tpu.memory_space<vmem>>, vector<16xf32>,
            %swap3A_255 = vector.shape_cast %swap3A_254 : vector<16xf32> to vector<16xf32>
            %swap3A_256 = vector.shape_cast %add3A_252 : vector<16xf32> to vector<16xf32>
            tpu.vector_store %arg23[%swap3A_253], %swap3A_256 {strides = array<i32>} : memref<2064xf32, #tpu.memory_space<vmem>>, vector<16xf32>,
          } else {
          }
          %convert_element_type3A_182 = arith.extui %gt3A_81 : i1 to i32
          %cond3A_183 = arith.constant 0 : i32
          %cond3A_184 = arith.cmpi ne, %convert_element_type3A_182, %cond3A_183 : i32
          scf.if %cond3A_184 {
            %add3A_203 = arith.addi %min3A_154, %add3A_129 : i32
            %min3A_204 = arith.constant 2047 : i32
            %min3A_205 = arith.minsi %add3A_203, %min3A_204 : i32
            %slice3A_206 = vector.extract_strided_slice %get3A_44 {offsets = [9], sizes = [1], strides = [1]} : vector<16xf32> to vector<1xf32>
            %squeeze3A_207 = vector.extract %slice3A_206[0] : f32 from vector<1xf32>
            %add3A_208 = vector.broadcast %squeeze3A_207 : f32 to vector<16xf32>
            %add3A_209 = arith.addf %broadcast_in_dim3A_5, %add3A_208 : vector<16xf32>
            %swap3A_210 = arith.index_cast %min3A_205 : i32 to index
            %swap3A_211 = tpu.vector_load %arg18[%swap3A_210] {strides = array<i32>} : memref<2064xf32, #tpu.memory_space<vmem>>, vector<16xf32>,
            %swap3A_212 = vector.shape_cast %swap3A_211 : vector<16xf32> to vector<16xf32>
            %swap3A_213 = vector.shape_cast %add3A_209 : vector<16xf32> to vector<16xf32>
            tpu.vector_store %arg18[%swap3A_210], %swap3A_213 {strides = array<i32>} : memref<2064xf32, #tpu.memory_space<vmem>>, vector<16xf32>,
            %mul3A_214 = arith.constant 16 : i32
            %mul3A_215 = arith.muli %scan3A_39, %mul3A_214 : i32
            %add3A_216 = arith.addi %add3A_30, %mul3A_215 : i32
            %add3A_217 = arith.constant 9 : i32
            %add3A_218 = arith.addi %add3A_216, %add3A_217 : i32
            %add3A_219 = vector.broadcast %add3A_218 : i32 to vector<16xi32>
            %add3A_220 = arith.addi %broadcast_in_dim3A_7, %add3A_219 : vector<16xi32>
            %swap3A_221 = arith.index_cast %min3A_205 : i32 to index
            %swap3A_222 = tpu.vector_load %arg19[%swap3A_221] {strides = array<i32>} : memref<2064xi32, #tpu.memory_space<vmem>>, vector<16xi32>,
            %swap3A_223 = vector.shape_cast %swap3A_222 : vector<16xi32> to vector<16xi32>
            %swap3A_224 = vector.shape_cast %add3A_220 : vector<16xi32> to vector<16xi32>
            tpu.vector_store %arg19[%swap3A_221], %swap3A_224 {strides = array<i32>} : memref<2064xi32, #tpu.memory_space<vmem>>, vector<16xi32>,
            %slice3A_225 = vector.extract_strided_slice %get3A_143 {offsets = [9], sizes = [1], strides = [1]} : vector<16xf32> to vector<1xf32>
            %squeeze3A_226 = vector.extract %slice3A_225[0] : f32 from vector<1xf32>
            %add3A_227 = vector.broadcast %squeeze3A_226 : f32 to vector<16xf32>
            %add3A_228 = arith.addf %broadcast_in_dim3A_5, %add3A_227 : vector<16xf32>
            %swap3A_229 = arith.index_cast %min3A_205 : i32 to index
            %swap3A_230 = tpu.vector_load %arg20[%swap3A_229] {strides = array<i32>} : memref<2064xf32, #tpu.memory_space<vmem>>, vector<16xf32>,
            %swap3A_231 = vector.shape_cast %swap3A_230 : vector<16xf32> to vector<16xf32>
            %swap3A_232 = vector.shape_cast %add3A_228 : vector<16xf32> to vector<16xf32>
            tpu.vector_store %arg20[%swap3A_229], %swap3A_232 {strides = array<i32>} : memref<2064xf32, #tpu.memory_space<vmem>>, vector<16xf32>,
            %slice3A_233 = vector.extract_strided_slice %get3A_146 {offsets = [9], sizes = [1], strides = [1]} : vector<16xf32> to vector<1xf32>
            %squeeze3A_234 = vector.extract %slice3A_233[0] : f32 from vector<1xf32>
            %add3A_235 = vector.broadcast %squeeze3A_234 : f32 to vector<16xf32>
            %add3A_236 = arith.addf %broadcast_in_dim3A_5, %add3A_235 : vector<16xf32>
            %swap3A_237 = arith.index_cast %min3A_205 : i32 to index
            %swap3A_238 = tpu.vector_load %arg21[%swap3A_237] {strides = array<i32>} : memref<2064xf32, #tpu.memory_space<vmem>>, vector<16xf32>,
            %swap3A_239 = vector.shape_cast %swap3A_238 : vector<16xf32> to vector<16xf32>
            %swap3A_240 = vector.shape_cast %add3A_236 : vector<16xf32> to vector<16xf32>
            tpu.vector_store %arg21[%swap3A_237], %swap3A_240 {strides = array<i32>} : memref<2064xf32, #tpu.memory_space<vmem>>, vector<16xf32>,
            %slice3A_241 = vector.extract_strided_slice %get3A_149 {offsets = [9], sizes = [1], strides = [1]} : vector<16xf32> to vector<1xf32>
            %squeeze3A_242 = vector.extract %slice3A_241[0] : f32 from vector<1xf32>
            %add3A_243 = vector.broadcast %squeeze3A_242 : f32 to vector<16xf32>
            %add3A_244 = arith.addf %broadcast_in_dim3A_5, %add3A_243 : vector<16xf32>
            %swap3A_245 = arith.index_cast %min3A_205 : i32 to index
            %swap3A_246 = tpu.vector_load %arg22[%swap3A_245] {strides = array<i32>} : memref<2064xf32, #tpu.memory_space<vmem>>, vector<16xf32>,
            %swap3A_247 = vector.shape_cast %swap3A_246 : vector<16xf32> to vector<16xf32>
            %swap3A_248 = vector.shape_cast %add3A_244 : vector<16xf32> to vector<16xf32>
            tpu.vector_store %arg22[%swap3A_245], %swap3A_248 {strides = array<i32>} : memref<2064xf32, #tpu.memory_space<vmem>>, vector<16xf32>,
            %slice3A_249 = vector.extract_strided_slice %get3A_152 {offsets = [9], sizes = [1], strides = [1]} : vector<16xf32> to vector<1xf32>
            %squeeze3A_250 = vector.extract %slice3A_249[0] : f32 from vector<1xf32>
            %add3A_251 = vector.broadcast %squeeze3A_250 : f32 to vector<16xf32>
            %add3A_252 = arith.addf %broadcast_in_dim3A_5, %add3A_251 : vector<16xf32>
            %swap3A_253 = arith.index_cast %min3A_205 : i32 to index
            %swap3A_254 = tpu.vector_load %arg23[%swap3A_253] {strides = array<i32>} : memref<2064xf32, #tpu.memory_space<vmem>>, vector<16xf32>,
            %swap3A_255 = vector.shape_cast %swap3A_254 : vector<16xf32> to vector<16xf32>
            %swap3A_256 = vector.shape_cast %add3A_252 : vector<16xf32> to vector<16xf32>
            tpu.vector_store %arg23[%swap3A_253], %swap3A_256 {strides = array<i32>} : memref<2064xf32, #tpu.memory_space<vmem>>, vector<16xf32>,
          } else {
          }
          %convert_element_type3A_185 = arith.extui %gt3A_85 : i1 to i32
          %cond3A_186 = arith.constant 0 : i32
          %cond3A_187 = arith.cmpi ne, %convert_element_type3A_185, %cond3A_186 : i32
          scf.if %cond3A_187 {
            %add3A_203 = arith.addi %min3A_154, %add3A_130 : i32
            %min3A_204 = arith.constant 2047 : i32
            %min3A_205 = arith.minsi %add3A_203, %min3A_204 : i32
            %slice3A_206 = vector.extract_strided_slice %get3A_44 {offsets = [10], sizes = [1], strides = [1]} : vector<16xf32> to vector<1xf32>
            %squeeze3A_207 = vector.extract %slice3A_206[0] : f32 from vector<1xf32>
            %add3A_208 = vector.broadcast %squeeze3A_207 : f32 to vector<16xf32>
            %add3A_209 = arith.addf %broadcast_in_dim3A_5, %add3A_208 : vector<16xf32>
            %swap3A_210 = arith.index_cast %min3A_205 : i32 to index
            %swap3A_211 = tpu.vector_load %arg18[%swap3A_210] {strides = array<i32>} : memref<2064xf32, #tpu.memory_space<vmem>>, vector<16xf32>,
            %swap3A_212 = vector.shape_cast %swap3A_211 : vector<16xf32> to vector<16xf32>
            %swap3A_213 = vector.shape_cast %add3A_209 : vector<16xf32> to vector<16xf32>
            tpu.vector_store %arg18[%swap3A_210], %swap3A_213 {strides = array<i32>} : memref<2064xf32, #tpu.memory_space<vmem>>, vector<16xf32>,
            %mul3A_214 = arith.constant 16 : i32
            %mul3A_215 = arith.muli %scan3A_39, %mul3A_214 : i32
            %add3A_216 = arith.addi %add3A_30, %mul3A_215 : i32
            %add3A_217 = arith.constant 10 : i32
            %add3A_218 = arith.addi %add3A_216, %add3A_217 : i32
            %add3A_219 = vector.broadcast %add3A_218 : i32 to vector<16xi32>
            %add3A_220 = arith.addi %broadcast_in_dim3A_7, %add3A_219 : vector<16xi32>
            %swap3A_221 = arith.index_cast %min3A_205 : i32 to index
            %swap3A_222 = tpu.vector_load %arg19[%swap3A_221] {strides = array<i32>} : memref<2064xi32, #tpu.memory_space<vmem>>, vector<16xi32>,
            %swap3A_223 = vector.shape_cast %swap3A_222 : vector<16xi32> to vector<16xi32>
            %swap3A_224 = vector.shape_cast %add3A_220 : vector<16xi32> to vector<16xi32>
            tpu.vector_store %arg19[%swap3A_221], %swap3A_224 {strides = array<i32>} : memref<2064xi32, #tpu.memory_space<vmem>>, vector<16xi32>,
            %slice3A_225 = vector.extract_strided_slice %get3A_143 {offsets = [10], sizes = [1], strides = [1]} : vector<16xf32> to vector<1xf32>
            %squeeze3A_226 = vector.extract %slice3A_225[0] : f32 from vector<1xf32>
            %add3A_227 = vector.broadcast %squeeze3A_226 : f32 to vector<16xf32>
            %add3A_228 = arith.addf %broadcast_in_dim3A_5, %add3A_227 : vector<16xf32>
            %swap3A_229 = arith.index_cast %min3A_205 : i32 to index
            %swap3A_230 = tpu.vector_load %arg20[%swap3A_229] {strides = array<i32>} : memref<2064xf32, #tpu.memory_space<vmem>>, vector<16xf32>,
            %swap3A_231 = vector.shape_cast %swap3A_230 : vector<16xf32> to vector<16xf32>
            %swap3A_232 = vector.shape_cast %add3A_228 : vector<16xf32> to vector<16xf32>
            tpu.vector_store %arg20[%swap3A_229], %swap3A_232 {strides = array<i32>} : memref<2064xf32, #tpu.memory_space<vmem>>, vector<16xf32>,
            %slice3A_233 = vector.extract_strided_slice %get3A_146 {offsets = [10], sizes = [1], strides = [1]} : vector<16xf32> to vector<1xf32>
            %squeeze3A_234 = vector.extract %slice3A_233[0] : f32 from vector<1xf32>
            %add3A_235 = vector.broadcast %squeeze3A_234 : f32 to vector<16xf32>
            %add3A_236 = arith.addf %broadcast_in_dim3A_5, %add3A_235 : vector<16xf32>
            %swap3A_237 = arith.index_cast %min3A_205 : i32 to index
            %swap3A_238 = tpu.vector_load %arg21[%swap3A_237] {strides = array<i32>} : memref<2064xf32, #tpu.memory_space<vmem>>, vector<16xf32>,
            %swap3A_239 = vector.shape_cast %swap3A_238 : vector<16xf32> to vector<16xf32>
            %swap3A_240 = vector.shape_cast %add3A_236 : vector<16xf32> to vector<16xf32>
            tpu.vector_store %arg21[%swap3A_237], %swap3A_240 {strides = array<i32>} : memref<2064xf32, #tpu.memory_space<vmem>>, vector<16xf32>,
            %slice3A_241 = vector.extract_strided_slice %get3A_149 {offsets = [10], sizes = [1], strides = [1]} : vector<16xf32> to vector<1xf32>
            %squeeze3A_242 = vector.extract %slice3A_241[0] : f32 from vector<1xf32>
            %add3A_243 = vector.broadcast %squeeze3A_242 : f32 to vector<16xf32>
            %add3A_244 = arith.addf %broadcast_in_dim3A_5, %add3A_243 : vector<16xf32>
            %swap3A_245 = arith.index_cast %min3A_205 : i32 to index
            %swap3A_246 = tpu.vector_load %arg22[%swap3A_245] {strides = array<i32>} : memref<2064xf32, #tpu.memory_space<vmem>>, vector<16xf32>,
            %swap3A_247 = vector.shape_cast %swap3A_246 : vector<16xf32> to vector<16xf32>
            %swap3A_248 = vector.shape_cast %add3A_244 : vector<16xf32> to vector<16xf32>
            tpu.vector_store %arg22[%swap3A_245], %swap3A_248 {strides = array<i32>} : memref<2064xf32, #tpu.memory_space<vmem>>, vector<16xf32>,
            %slice3A_249 = vector.extract_strided_slice %get3A_152 {offsets = [10], sizes = [1], strides = [1]} : vector<16xf32> to vector<1xf32>
            %squeeze3A_250 = vector.extract %slice3A_249[0] : f32 from vector<1xf32>
            %add3A_251 = vector.broadcast %squeeze3A_250 : f32 to vector<16xf32>
            %add3A_252 = arith.addf %broadcast_in_dim3A_5, %add3A_251 : vector<16xf32>
            %swap3A_253 = arith.index_cast %min3A_205 : i32 to index
            %swap3A_254 = tpu.vector_load %arg23[%swap3A_253] {strides = array<i32>} : memref<2064xf32, #tpu.memory_space<vmem>>, vector<16xf32>,
            %swap3A_255 = vector.shape_cast %swap3A_254 : vector<16xf32> to vector<16xf32>
            %swap3A_256 = vector.shape_cast %add3A_252 : vector<16xf32> to vector<16xf32>
            tpu.vector_store %arg23[%swap3A_253], %swap3A_256 {strides = array<i32>} : memref<2064xf32, #tpu.memory_space<vmem>>, vector<16xf32>,
          } else {
          }
          %convert_element_type3A_188 = arith.extui %gt3A_89 : i1 to i32
          %cond3A_189 = arith.constant 0 : i32
          %cond3A_190 = arith.cmpi ne, %convert_element_type3A_188, %cond3A_189 : i32
          scf.if %cond3A_190 {
            %add3A_203 = arith.addi %min3A_154, %add3A_131 : i32
            %min3A_204 = arith.constant 2047 : i32
            %min3A_205 = arith.minsi %add3A_203, %min3A_204 : i32
            %slice3A_206 = vector.extract_strided_slice %get3A_44 {offsets = [11], sizes = [1], strides = [1]} : vector<16xf32> to vector<1xf32>
            %squeeze3A_207 = vector.extract %slice3A_206[0] : f32 from vector<1xf32>
            %add3A_208 = vector.broadcast %squeeze3A_207 : f32 to vector<16xf32>
            %add3A_209 = arith.addf %broadcast_in_dim3A_5, %add3A_208 : vector<16xf32>
            %swap3A_210 = arith.index_cast %min3A_205 : i32 to index
            %swap3A_211 = tpu.vector_load %arg18[%swap3A_210] {strides = array<i32>} : memref<2064xf32, #tpu.memory_space<vmem>>, vector<16xf32>,
            %swap3A_212 = vector.shape_cast %swap3A_211 : vector<16xf32> to vector<16xf32>
            %swap3A_213 = vector.shape_cast %add3A_209 : vector<16xf32> to vector<16xf32>
            tpu.vector_store %arg18[%swap3A_210], %swap3A_213 {strides = array<i32>} : memref<2064xf32, #tpu.memory_space<vmem>>, vector<16xf32>,
            %mul3A_214 = arith.constant 16 : i32
            %mul3A_215 = arith.muli %scan3A_39, %mul3A_214 : i32
            %add3A_216 = arith.addi %add3A_30, %mul3A_215 : i32
            %add3A_217 = arith.constant 11 : i32
            %add3A_218 = arith.addi %add3A_216, %add3A_217 : i32
            %add3A_219 = vector.broadcast %add3A_218 : i32 to vector<16xi32>
            %add3A_220 = arith.addi %broadcast_in_dim3A_7, %add3A_219 : vector<16xi32>
            %swap3A_221 = arith.index_cast %min3A_205 : i32 to index
            %swap3A_222 = tpu.vector_load %arg19[%swap3A_221] {strides = array<i32>} : memref<2064xi32, #tpu.memory_space<vmem>>, vector<16xi32>,
            %swap3A_223 = vector.shape_cast %swap3A_222 : vector<16xi32> to vector<16xi32>
            %swap3A_224 = vector.shape_cast %add3A_220 : vector<16xi32> to vector<16xi32>
            tpu.vector_store %arg19[%swap3A_221], %swap3A_224 {strides = array<i32>} : memref<2064xi32, #tpu.memory_space<vmem>>, vector<16xi32>,
            %slice3A_225 = vector.extract_strided_slice %get3A_143 {offsets = [11], sizes = [1], strides = [1]} : vector<16xf32> to vector<1xf32>
            %squeeze3A_226 = vector.extract %slice3A_225[0] : f32 from vector<1xf32>
            %add3A_227 = vector.broadcast %squeeze3A_226 : f32 to vector<16xf32>
            %add3A_228 = arith.addf %broadcast_in_dim3A_5, %add3A_227 : vector<16xf32>
            %swap3A_229 = arith.index_cast %min3A_205 : i32 to index
            %swap3A_230 = tpu.vector_load %arg20[%swap3A_229] {strides = array<i32>} : memref<2064xf32, #tpu.memory_space<vmem>>, vector<16xf32>,
            %swap3A_231 = vector.shape_cast %swap3A_230 : vector<16xf32> to vector<16xf32>
            %swap3A_232 = vector.shape_cast %add3A_228 : vector<16xf32> to vector<16xf32>
            tpu.vector_store %arg20[%swap3A_229], %swap3A_232 {strides = array<i32>} : memref<2064xf32, #tpu.memory_space<vmem>>, vector<16xf32>,
            %slice3A_233 = vector.extract_strided_slice %get3A_146 {offsets = [11], sizes = [1], strides = [1]} : vector<16xf32> to vector<1xf32>
            %squeeze3A_234 = vector.extract %slice3A_233[0] : f32 from vector<1xf32>
            %add3A_235 = vector.broadcast %squeeze3A_234 : f32 to vector<16xf32>
            %add3A_236 = arith.addf %broadcast_in_dim3A_5, %add3A_235 : vector<16xf32>
            %swap3A_237 = arith.index_cast %min3A_205 : i32 to index
            %swap3A_238 = tpu.vector_load %arg21[%swap3A_237] {strides = array<i32>} : memref<2064xf32, #tpu.memory_space<vmem>>, vector<16xf32>,
            %swap3A_239 = vector.shape_cast %swap3A_238 : vector<16xf32> to vector<16xf32>
            %swap3A_240 = vector.shape_cast %add3A_236 : vector<16xf32> to vector<16xf32>
            tpu.vector_store %arg21[%swap3A_237], %swap3A_240 {strides = array<i32>} : memref<2064xf32, #tpu.memory_space<vmem>>, vector<16xf32>,
            %slice3A_241 = vector.extract_strided_slice %get3A_149 {offsets = [11], sizes = [1], strides = [1]} : vector<16xf32> to vector<1xf32>
            %squeeze3A_242 = vector.extract %slice3A_241[0] : f32 from vector<1xf32>
            %add3A_243 = vector.broadcast %squeeze3A_242 : f32 to vector<16xf32>
            %add3A_244 = arith.addf %broadcast_in_dim3A_5, %add3A_243 : vector<16xf32>
            %swap3A_245 = arith.index_cast %min3A_205 : i32 to index
            %swap3A_246 = tpu.vector_load %arg22[%swap3A_245] {strides = array<i32>} : memref<2064xf32, #tpu.memory_space<vmem>>, vector<16xf32>,
            %swap3A_247 = vector.shape_cast %swap3A_246 : vector<16xf32> to vector<16xf32>
            %swap3A_248 = vector.shape_cast %add3A_244 : vector<16xf32> to vector<16xf32>
            tpu.vector_store %arg22[%swap3A_245], %swap3A_248 {strides = array<i32>} : memref<2064xf32, #tpu.memory_space<vmem>>, vector<16xf32>,
            %slice3A_249 = vector.extract_strided_slice %get3A_152 {offsets = [11], sizes = [1], strides = [1]} : vector<16xf32> to vector<1xf32>
            %squeeze3A_250 = vector.extract %slice3A_249[0] : f32 from vector<1xf32>
            %add3A_251 = vector.broadcast %squeeze3A_250 : f32 to vector<16xf32>
            %add3A_252 = arith.addf %broadcast_in_dim3A_5, %add3A_251 : vector<16xf32>
            %swap3A_253 = arith.index_cast %min3A_205 : i32 to index
            %swap3A_254 = tpu.vector_load %arg23[%swap3A_253] {strides = array<i32>} : memref<2064xf32, #tpu.memory_space<vmem>>, vector<16xf32>,
            %swap3A_255 = vector.shape_cast %swap3A_254 : vector<16xf32> to vector<16xf32>
            %swap3A_256 = vector.shape_cast %add3A_252 : vector<16xf32> to vector<16xf32>
            tpu.vector_store %arg23[%swap3A_253], %swap3A_256 {strides = array<i32>} : memref<2064xf32, #tpu.memory_space<vmem>>, vector<16xf32>,
          } else {
          }
          %convert_element_type3A_191 = arith.extui %gt3A_93 : i1 to i32
          %cond3A_192 = arith.constant 0 : i32
          %cond3A_193 = arith.cmpi ne, %convert_element_type3A_191, %cond3A_192 : i32
          scf.if %cond3A_193 {
            %add3A_203 = arith.addi %min3A_154, %add3A_132 : i32
            %min3A_204 = arith.constant 2047 : i32
            %min3A_205 = arith.minsi %add3A_203, %min3A_204 : i32
            %slice3A_206 = vector.extract_strided_slice %get3A_44 {offsets = [12], sizes = [1], strides = [1]} : vector<16xf32> to vector<1xf32>
            %squeeze3A_207 = vector.extract %slice3A_206[0] : f32 from vector<1xf32>
            %add3A_208 = vector.broadcast %squeeze3A_207 : f32 to vector<16xf32>
            %add3A_209 = arith.addf %broadcast_in_dim3A_5, %add3A_208 : vector<16xf32>
            %swap3A_210 = arith.index_cast %min3A_205 : i32 to index
            %swap3A_211 = tpu.vector_load %arg18[%swap3A_210] {strides = array<i32>} : memref<2064xf32, #tpu.memory_space<vmem>>, vector<16xf32>,
            %swap3A_212 = vector.shape_cast %swap3A_211 : vector<16xf32> to vector<16xf32>
            %swap3A_213 = vector.shape_cast %add3A_209 : vector<16xf32> to vector<16xf32>
            tpu.vector_store %arg18[%swap3A_210], %swap3A_213 {strides = array<i32>} : memref<2064xf32, #tpu.memory_space<vmem>>, vector<16xf32>,
            %mul3A_214 = arith.constant 16 : i32
            %mul3A_215 = arith.muli %scan3A_39, %mul3A_214 : i32
            %add3A_216 = arith.addi %add3A_30, %mul3A_215 : i32
            %add3A_217 = arith.constant 12 : i32
            %add3A_218 = arith.addi %add3A_216, %add3A_217 : i32
            %add3A_219 = vector.broadcast %add3A_218 : i32 to vector<16xi32>
            %add3A_220 = arith.addi %broadcast_in_dim3A_7, %add3A_219 : vector<16xi32>
            %swap3A_221 = arith.index_cast %min3A_205 : i32 to index
            %swap3A_222 = tpu.vector_load %arg19[%swap3A_221] {strides = array<i32>} : memref<2064xi32, #tpu.memory_space<vmem>>, vector<16xi32>,
            %swap3A_223 = vector.shape_cast %swap3A_222 : vector<16xi32> to vector<16xi32>
            %swap3A_224 = vector.shape_cast %add3A_220 : vector<16xi32> to vector<16xi32>
            tpu.vector_store %arg19[%swap3A_221], %swap3A_224 {strides = array<i32>} : memref<2064xi32, #tpu.memory_space<vmem>>, vector<16xi32>,
            %slice3A_225 = vector.extract_strided_slice %get3A_143 {offsets = [12], sizes = [1], strides = [1]} : vector<16xf32> to vector<1xf32>
            %squeeze3A_226 = vector.extract %slice3A_225[0] : f32 from vector<1xf32>
            %add3A_227 = vector.broadcast %squeeze3A_226 : f32 to vector<16xf32>
            %add3A_228 = arith.addf %broadcast_in_dim3A_5, %add3A_227 : vector<16xf32>
            %swap3A_229 = arith.index_cast %min3A_205 : i32 to index
            %swap3A_230 = tpu.vector_load %arg20[%swap3A_229] {strides = array<i32>} : memref<2064xf32, #tpu.memory_space<vmem>>, vector<16xf32>,
            %swap3A_231 = vector.shape_cast %swap3A_230 : vector<16xf32> to vector<16xf32>
            %swap3A_232 = vector.shape_cast %add3A_228 : vector<16xf32> to vector<16xf32>
            tpu.vector_store %arg20[%swap3A_229], %swap3A_232 {strides = array<i32>} : memref<2064xf32, #tpu.memory_space<vmem>>, vector<16xf32>,
            %slice3A_233 = vector.extract_strided_slice %get3A_146 {offsets = [12], sizes = [1], strides = [1]} : vector<16xf32> to vector<1xf32>
            %squeeze3A_234 = vector.extract %slice3A_233[0] : f32 from vector<1xf32>
            %add3A_235 = vector.broadcast %squeeze3A_234 : f32 to vector<16xf32>
            %add3A_236 = arith.addf %broadcast_in_dim3A_5, %add3A_235 : vector<16xf32>
            %swap3A_237 = arith.index_cast %min3A_205 : i32 to index
            %swap3A_238 = tpu.vector_load %arg21[%swap3A_237] {strides = array<i32>} : memref<2064xf32, #tpu.memory_space<vmem>>, vector<16xf32>,
            %swap3A_239 = vector.shape_cast %swap3A_238 : vector<16xf32> to vector<16xf32>
            %swap3A_240 = vector.shape_cast %add3A_236 : vector<16xf32> to vector<16xf32>
            tpu.vector_store %arg21[%swap3A_237], %swap3A_240 {strides = array<i32>} : memref<2064xf32, #tpu.memory_space<vmem>>, vector<16xf32>,
            %slice3A_241 = vector.extract_strided_slice %get3A_149 {offsets = [12], sizes = [1], strides = [1]} : vector<16xf32> to vector<1xf32>
            %squeeze3A_242 = vector.extract %slice3A_241[0] : f32 from vector<1xf32>
            %add3A_243 = vector.broadcast %squeeze3A_242 : f32 to vector<16xf32>
            %add3A_244 = arith.addf %broadcast_in_dim3A_5, %add3A_243 : vector<16xf32>
            %swap3A_245 = arith.index_cast %min3A_205 : i32 to index
            %swap3A_246 = tpu.vector_load %arg22[%swap3A_245] {strides = array<i32>} : memref<2064xf32, #tpu.memory_space<vmem>>, vector<16xf32>,
            %swap3A_247 = vector.shape_cast %swap3A_246 : vector<16xf32> to vector<16xf32>
            %swap3A_248 = vector.shape_cast %add3A_244 : vector<16xf32> to vector<16xf32>
            tpu.vector_store %arg22[%swap3A_245], %swap3A_248 {strides = array<i32>} : memref<2064xf32, #tpu.memory_space<vmem>>, vector<16xf32>,
            %slice3A_249 = vector.extract_strided_slice %get3A_152 {offsets = [12], sizes = [1], strides = [1]} : vector<16xf32> to vector<1xf32>
            %squeeze3A_250 = vector.extract %slice3A_249[0] : f32 from vector<1xf32>
            %add3A_251 = vector.broadcast %squeeze3A_250 : f32 to vector<16xf32>
            %add3A_252 = arith.addf %broadcast_in_dim3A_5, %add3A_251 : vector<16xf32>
            %swap3A_253 = arith.index_cast %min3A_205 : i32 to index
            %swap3A_254 = tpu.vector_load %arg23[%swap3A_253] {strides = array<i32>} : memref<2064xf32, #tpu.memory_space<vmem>>, vector<16xf32>,
            %swap3A_255 = vector.shape_cast %swap3A_254 : vector<16xf32> to vector<16xf32>
            %swap3A_256 = vector.shape_cast %add3A_252 : vector<16xf32> to vector<16xf32>
            tpu.vector_store %arg23[%swap3A_253], %swap3A_256 {strides = array<i32>} : memref<2064xf32, #tpu.memory_space<vmem>>, vector<16xf32>,
          } else {
          }
          %convert_element_type3A_194 = arith.extui %gt3A_97 : i1 to i32
          %cond3A_195 = arith.constant 0 : i32
          %cond3A_196 = arith.cmpi ne, %convert_element_type3A_194, %cond3A_195 : i32
          scf.if %cond3A_196 {
            %add3A_203 = arith.addi %min3A_154, %add3A_133 : i32
            %min3A_204 = arith.constant 2047 : i32
            %min3A_205 = arith.minsi %add3A_203, %min3A_204 : i32
            %slice3A_206 = vector.extract_strided_slice %get3A_44 {offsets = [13], sizes = [1], strides = [1]} : vector<16xf32> to vector<1xf32>
            %squeeze3A_207 = vector.extract %slice3A_206[0] : f32 from vector<1xf32>
            %add3A_208 = vector.broadcast %squeeze3A_207 : f32 to vector<16xf32>
            %add3A_209 = arith.addf %broadcast_in_dim3A_5, %add3A_208 : vector<16xf32>
            %swap3A_210 = arith.index_cast %min3A_205 : i32 to index
            %swap3A_211 = tpu.vector_load %arg18[%swap3A_210] {strides = array<i32>} : memref<2064xf32, #tpu.memory_space<vmem>>, vector<16xf32>,
            %swap3A_212 = vector.shape_cast %swap3A_211 : vector<16xf32> to vector<16xf32>
            %swap3A_213 = vector.shape_cast %add3A_209 : vector<16xf32> to vector<16xf32>
            tpu.vector_store %arg18[%swap3A_210], %swap3A_213 {strides = array<i32>} : memref<2064xf32, #tpu.memory_space<vmem>>, vector<16xf32>,
            %mul3A_214 = arith.constant 16 : i32
            %mul3A_215 = arith.muli %scan3A_39, %mul3A_214 : i32
            %add3A_216 = arith.addi %add3A_30, %mul3A_215 : i32
            %add3A_217 = arith.constant 13 : i32
            %add3A_218 = arith.addi %add3A_216, %add3A_217 : i32
            %add3A_219 = vector.broadcast %add3A_218 : i32 to vector<16xi32>
            %add3A_220 = arith.addi %broadcast_in_dim3A_7, %add3A_219 : vector<16xi32>
            %swap3A_221 = arith.index_cast %min3A_205 : i32 to index
            %swap3A_222 = tpu.vector_load %arg19[%swap3A_221] {strides = array<i32>} : memref<2064xi32, #tpu.memory_space<vmem>>, vector<16xi32>,
            %swap3A_223 = vector.shape_cast %swap3A_222 : vector<16xi32> to vector<16xi32>
            %swap3A_224 = vector.shape_cast %add3A_220 : vector<16xi32> to vector<16xi32>
            tpu.vector_store %arg19[%swap3A_221], %swap3A_224 {strides = array<i32>} : memref<2064xi32, #tpu.memory_space<vmem>>, vector<16xi32>,
            %slice3A_225 = vector.extract_strided_slice %get3A_143 {offsets = [13], sizes = [1], strides = [1]} : vector<16xf32> to vector<1xf32>
            %squeeze3A_226 = vector.extract %slice3A_225[0] : f32 from vector<1xf32>
            %add3A_227 = vector.broadcast %squeeze3A_226 : f32 to vector<16xf32>
            %add3A_228 = arith.addf %broadcast_in_dim3A_5, %add3A_227 : vector<16xf32>
            %swap3A_229 = arith.index_cast %min3A_205 : i32 to index
            %swap3A_230 = tpu.vector_load %arg20[%swap3A_229] {strides = array<i32>} : memref<2064xf32, #tpu.memory_space<vmem>>, vector<16xf32>,
            %swap3A_231 = vector.shape_cast %swap3A_230 : vector<16xf32> to vector<16xf32>
            %swap3A_232 = vector.shape_cast %add3A_228 : vector<16xf32> to vector<16xf32>
            tpu.vector_store %arg20[%swap3A_229], %swap3A_232 {strides = array<i32>} : memref<2064xf32, #tpu.memory_space<vmem>>, vector<16xf32>,
            %slice3A_233 = vector.extract_strided_slice %get3A_146 {offsets = [13], sizes = [1], strides = [1]} : vector<16xf32> to vector<1xf32>
            %squeeze3A_234 = vector.extract %slice3A_233[0] : f32 from vector<1xf32>
            %add3A_235 = vector.broadcast %squeeze3A_234 : f32 to vector<16xf32>
            %add3A_236 = arith.addf %broadcast_in_dim3A_5, %add3A_235 : vector<16xf32>
            %swap3A_237 = arith.index_cast %min3A_205 : i32 to index
            %swap3A_238 = tpu.vector_load %arg21[%swap3A_237] {strides = array<i32>} : memref<2064xf32, #tpu.memory_space<vmem>>, vector<16xf32>,
            %swap3A_239 = vector.shape_cast %swap3A_238 : vector<16xf32> to vector<16xf32>
            %swap3A_240 = vector.shape_cast %add3A_236 : vector<16xf32> to vector<16xf32>
            tpu.vector_store %arg21[%swap3A_237], %swap3A_240 {strides = array<i32>} : memref<2064xf32, #tpu.memory_space<vmem>>, vector<16xf32>,
            %slice3A_241 = vector.extract_strided_slice %get3A_149 {offsets = [13], sizes = [1], strides = [1]} : vector<16xf32> to vector<1xf32>
            %squeeze3A_242 = vector.extract %slice3A_241[0] : f32 from vector<1xf32>
            %add3A_243 = vector.broadcast %squeeze3A_242 : f32 to vector<16xf32>
            %add3A_244 = arith.addf %broadcast_in_dim3A_5, %add3A_243 : vector<16xf32>
            %swap3A_245 = arith.index_cast %min3A_205 : i32 to index
            %swap3A_246 = tpu.vector_load %arg22[%swap3A_245] {strides = array<i32>} : memref<2064xf32, #tpu.memory_space<vmem>>, vector<16xf32>,
            %swap3A_247 = vector.shape_cast %swap3A_246 : vector<16xf32> to vector<16xf32>
            %swap3A_248 = vector.shape_cast %add3A_244 : vector<16xf32> to vector<16xf32>
            tpu.vector_store %arg22[%swap3A_245], %swap3A_248 {strides = array<i32>} : memref<2064xf32, #tpu.memory_space<vmem>>, vector<16xf32>,
            %slice3A_249 = vector.extract_strided_slice %get3A_152 {offsets = [13], sizes = [1], strides = [1]} : vector<16xf32> to vector<1xf32>
            %squeeze3A_250 = vector.extract %slice3A_249[0] : f32 from vector<1xf32>
            %add3A_251 = vector.broadcast %squeeze3A_250 : f32 to vector<16xf32>
            %add3A_252 = arith.addf %broadcast_in_dim3A_5, %add3A_251 : vector<16xf32>
            %swap3A_253 = arith.index_cast %min3A_205 : i32 to index
            %swap3A_254 = tpu.vector_load %arg23[%swap3A_253] {strides = array<i32>} : memref<2064xf32, #tpu.memory_space<vmem>>, vector<16xf32>,
            %swap3A_255 = vector.shape_cast %swap3A_254 : vector<16xf32> to vector<16xf32>
            %swap3A_256 = vector.shape_cast %add3A_252 : vector<16xf32> to vector<16xf32>
            tpu.vector_store %arg23[%swap3A_253], %swap3A_256 {strides = array<i32>} : memref<2064xf32, #tpu.memory_space<vmem>>, vector<16xf32>,
          } else {
          }
          %convert_element_type3A_197 = arith.extui %gt3A_101 : i1 to i32
          %cond3A_198 = arith.constant 0 : i32
          %cond3A_199 = arith.cmpi ne, %convert_element_type3A_197, %cond3A_198 : i32
          scf.if %cond3A_199 {
            %add3A_203 = arith.addi %min3A_154, %add3A_134 : i32
            %min3A_204 = arith.constant 2047 : i32
            %min3A_205 = arith.minsi %add3A_203, %min3A_204 : i32
            %slice3A_206 = vector.extract_strided_slice %get3A_44 {offsets = [14], sizes = [1], strides = [1]} : vector<16xf32> to vector<1xf32>
            %squeeze3A_207 = vector.extract %slice3A_206[0] : f32 from vector<1xf32>
            %add3A_208 = vector.broadcast %squeeze3A_207 : f32 to vector<16xf32>
            %add3A_209 = arith.addf %broadcast_in_dim3A_5, %add3A_208 : vector<16xf32>
            %swap3A_210 = arith.index_cast %min3A_205 : i32 to index
            %swap3A_211 = tpu.vector_load %arg18[%swap3A_210] {strides = array<i32>} : memref<2064xf32, #tpu.memory_space<vmem>>, vector<16xf32>,
            %swap3A_212 = vector.shape_cast %swap3A_211 : vector<16xf32> to vector<16xf32>
            %swap3A_213 = vector.shape_cast %add3A_209 : vector<16xf32> to vector<16xf32>
            tpu.vector_store %arg18[%swap3A_210], %swap3A_213 {strides = array<i32>} : memref<2064xf32, #tpu.memory_space<vmem>>, vector<16xf32>,
            %mul3A_214 = arith.constant 16 : i32
            %mul3A_215 = arith.muli %scan3A_39, %mul3A_214 : i32
            %add3A_216 = arith.addi %add3A_30, %mul3A_215 : i32
            %add3A_217 = arith.constant 14 : i32
            %add3A_218 = arith.addi %add3A_216, %add3A_217 : i32
            %add3A_219 = vector.broadcast %add3A_218 : i32 to vector<16xi32>
            %add3A_220 = arith.addi %broadcast_in_dim3A_7, %add3A_219 : vector<16xi32>
            %swap3A_221 = arith.index_cast %min3A_205 : i32 to index
            %swap3A_222 = tpu.vector_load %arg19[%swap3A_221] {strides = array<i32>} : memref<2064xi32, #tpu.memory_space<vmem>>, vector<16xi32>,
            %swap3A_223 = vector.shape_cast %swap3A_222 : vector<16xi32> to vector<16xi32>
            %swap3A_224 = vector.shape_cast %add3A_220 : vector<16xi32> to vector<16xi32>
            tpu.vector_store %arg19[%swap3A_221], %swap3A_224 {strides = array<i32>} : memref<2064xi32, #tpu.memory_space<vmem>>, vector<16xi32>,
            %slice3A_225 = vector.extract_strided_slice %get3A_143 {offsets = [14], sizes = [1], strides = [1]} : vector<16xf32> to vector<1xf32>
            %squeeze3A_226 = vector.extract %slice3A_225[0] : f32 from vector<1xf32>
            %add3A_227 = vector.broadcast %squeeze3A_226 : f32 to vector<16xf32>
            %add3A_228 = arith.addf %broadcast_in_dim3A_5, %add3A_227 : vector<16xf32>
            %swap3A_229 = arith.index_cast %min3A_205 : i32 to index
            %swap3A_230 = tpu.vector_load %arg20[%swap3A_229] {strides = array<i32>} : memref<2064xf32, #tpu.memory_space<vmem>>, vector<16xf32>,
            %swap3A_231 = vector.shape_cast %swap3A_230 : vector<16xf32> to vector<16xf32>
            %swap3A_232 = vector.shape_cast %add3A_228 : vector<16xf32> to vector<16xf32>
            tpu.vector_store %arg20[%swap3A_229], %swap3A_232 {strides = array<i32>} : memref<2064xf32, #tpu.memory_space<vmem>>, vector<16xf32>,
            %slice3A_233 = vector.extract_strided_slice %get3A_146 {offsets = [14], sizes = [1], strides = [1]} : vector<16xf32> to vector<1xf32>
            %squeeze3A_234 = vector.extract %slice3A_233[0] : f32 from vector<1xf32>
            %add3A_235 = vector.broadcast %squeeze3A_234 : f32 to vector<16xf32>
            %add3A_236 = arith.addf %broadcast_in_dim3A_5, %add3A_235 : vector<16xf32>
            %swap3A_237 = arith.index_cast %min3A_205 : i32 to index
            %swap3A_238 = tpu.vector_load %arg21[%swap3A_237] {strides = array<i32>} : memref<2064xf32, #tpu.memory_space<vmem>>, vector<16xf32>,
            %swap3A_239 = vector.shape_cast %swap3A_238 : vector<16xf32> to vector<16xf32>
            %swap3A_240 = vector.shape_cast %add3A_236 : vector<16xf32> to vector<16xf32>
            tpu.vector_store %arg21[%swap3A_237], %swap3A_240 {strides = array<i32>} : memref<2064xf32, #tpu.memory_space<vmem>>, vector<16xf32>,
            %slice3A_241 = vector.extract_strided_slice %get3A_149 {offsets = [14], sizes = [1], strides = [1]} : vector<16xf32> to vector<1xf32>
            %squeeze3A_242 = vector.extract %slice3A_241[0] : f32 from vector<1xf32>
            %add3A_243 = vector.broadcast %squeeze3A_242 : f32 to vector<16xf32>
            %add3A_244 = arith.addf %broadcast_in_dim3A_5, %add3A_243 : vector<16xf32>
            %swap3A_245 = arith.index_cast %min3A_205 : i32 to index
            %swap3A_246 = tpu.vector_load %arg22[%swap3A_245] {strides = array<i32>} : memref<2064xf32, #tpu.memory_space<vmem>>, vector<16xf32>,
            %swap3A_247 = vector.shape_cast %swap3A_246 : vector<16xf32> to vector<16xf32>
            %swap3A_248 = vector.shape_cast %add3A_244 : vector<16xf32> to vector<16xf32>
            tpu.vector_store %arg22[%swap3A_245], %swap3A_248 {strides = array<i32>} : memref<2064xf32, #tpu.memory_space<vmem>>, vector<16xf32>,
            %slice3A_249 = vector.extract_strided_slice %get3A_152 {offsets = [14], sizes = [1], strides = [1]} : vector<16xf32> to vector<1xf32>
            %squeeze3A_250 = vector.extract %slice3A_249[0] : f32 from vector<1xf32>
            %add3A_251 = vector.broadcast %squeeze3A_250 : f32 to vector<16xf32>
            %add3A_252 = arith.addf %broadcast_in_dim3A_5, %add3A_251 : vector<16xf32>
            %swap3A_253 = arith.index_cast %min3A_205 : i32 to index
            %swap3A_254 = tpu.vector_load %arg23[%swap3A_253] {strides = array<i32>} : memref<2064xf32, #tpu.memory_space<vmem>>, vector<16xf32>,
            %swap3A_255 = vector.shape_cast %swap3A_254 : vector<16xf32> to vector<16xf32>
            %swap3A_256 = vector.shape_cast %add3A_252 : vector<16xf32> to vector<16xf32>
            tpu.vector_store %arg23[%swap3A_253], %swap3A_256 {strides = array<i32>} : memref<2064xf32, #tpu.memory_space<vmem>>, vector<16xf32>,
          } else {
          }
          %convert_element_type3A_200 = arith.extui %gt3A_105 : i1 to i32
          %cond3A_201 = arith.constant 0 : i32
          %cond3A_202 = arith.cmpi ne, %convert_element_type3A_200, %cond3A_201 : i32
          scf.if %cond3A_202 {
            %add3A_203 = arith.addi %min3A_154, %add3A_135 : i32
            %min3A_204 = arith.constant 2047 : i32
            %min3A_205 = arith.minsi %add3A_203, %min3A_204 : i32
            %slice3A_206 = vector.extract_strided_slice %get3A_44 {offsets = [15], sizes = [1], strides = [1]} : vector<16xf32> to vector<1xf32>
            %squeeze3A_207 = vector.extract %slice3A_206[0] : f32 from vector<1xf32>
            %add3A_208 = vector.broadcast %squeeze3A_207 : f32 to vector<16xf32>
            %add3A_209 = arith.addf %broadcast_in_dim3A_5, %add3A_208 : vector<16xf32>
            %swap3A_210 = arith.index_cast %min3A_205 : i32 to index
            %swap3A_211 = tpu.vector_load %arg18[%swap3A_210] {strides = array<i32>} : memref<2064xf32, #tpu.memory_space<vmem>>, vector<16xf32>,
            %swap3A_212 = vector.shape_cast %swap3A_211 : vector<16xf32> to vector<16xf32>
            %swap3A_213 = vector.shape_cast %add3A_209 : vector<16xf32> to vector<16xf32>
            tpu.vector_store %arg18[%swap3A_210], %swap3A_213 {strides = array<i32>} : memref<2064xf32, #tpu.memory_space<vmem>>, vector<16xf32>,
            %mul3A_214 = arith.constant 16 : i32
            %mul3A_215 = arith.muli %scan3A_39, %mul3A_214 : i32
            %add3A_216 = arith.addi %add3A_30, %mul3A_215 : i32
            %add3A_217 = arith.constant 15 : i32
            %add3A_218 = arith.addi %add3A_216, %add3A_217 : i32
            %add3A_219 = vector.broadcast %add3A_218 : i32 to vector<16xi32>
            %add3A_220 = arith.addi %broadcast_in_dim3A_7, %add3A_219 : vector<16xi32>
            %swap3A_221 = arith.index_cast %min3A_205 : i32 to index
            %swap3A_222 = tpu.vector_load %arg19[%swap3A_221] {strides = array<i32>} : memref<2064xi32, #tpu.memory_space<vmem>>, vector<16xi32>,
            %swap3A_223 = vector.shape_cast %swap3A_222 : vector<16xi32> to vector<16xi32>
            %swap3A_224 = vector.shape_cast %add3A_220 : vector<16xi32> to vector<16xi32>
            tpu.vector_store %arg19[%swap3A_221], %swap3A_224 {strides = array<i32>} : memref<2064xi32, #tpu.memory_space<vmem>>, vector<16xi32>,
            %slice3A_225 = vector.extract_strided_slice %get3A_143 {offsets = [15], sizes = [1], strides = [1]} : vector<16xf32> to vector<1xf32>
            %squeeze3A_226 = vector.extract %slice3A_225[0] : f32 from vector<1xf32>
            %add3A_227 = vector.broadcast %squeeze3A_226 : f32 to vector<16xf32>
            %add3A_228 = arith.addf %broadcast_in_dim3A_5, %add3A_227 : vector<16xf32>
            %swap3A_229 = arith.index_cast %min3A_205 : i32 to index
            %swap3A_230 = tpu.vector_load %arg20[%swap3A_229] {strides = array<i32>} : memref<2064xf32, #tpu.memory_space<vmem>>, vector<16xf32>,
            %swap3A_231 = vector.shape_cast %swap3A_230 : vector<16xf32> to vector<16xf32>
            %swap3A_232 = vector.shape_cast %add3A_228 : vector<16xf32> to vector<16xf32>
            tpu.vector_store %arg20[%swap3A_229], %swap3A_232 {strides = array<i32>} : memref<2064xf32, #tpu.memory_space<vmem>>, vector<16xf32>,
            %slice3A_233 = vector.extract_strided_slice %get3A_146 {offsets = [15], sizes = [1], strides = [1]} : vector<16xf32> to vector<1xf32>
            %squeeze3A_234 = vector.extract %slice3A_233[0] : f32 from vector<1xf32>
            %add3A_235 = vector.broadcast %squeeze3A_234 : f32 to vector<16xf32>
            %add3A_236 = arith.addf %broadcast_in_dim3A_5, %add3A_235 : vector<16xf32>
            %swap3A_237 = arith.index_cast %min3A_205 : i32 to index
            %swap3A_238 = tpu.vector_load %arg21[%swap3A_237] {strides = array<i32>} : memref<2064xf32, #tpu.memory_space<vmem>>, vector<16xf32>,
            %swap3A_239 = vector.shape_cast %swap3A_238 : vector<16xf32> to vector<16xf32>
            %swap3A_240 = vector.shape_cast %add3A_236 : vector<16xf32> to vector<16xf32>
            tpu.vector_store %arg21[%swap3A_237], %swap3A_240 {strides = array<i32>} : memref<2064xf32, #tpu.memory_space<vmem>>, vector<16xf32>,
            %slice3A_241 = vector.extract_strided_slice %get3A_149 {offsets = [15], sizes = [1], strides = [1]} : vector<16xf32> to vector<1xf32>
            %squeeze3A_242 = vector.extract %slice3A_241[0] : f32 from vector<1xf32>
            %add3A_243 = vector.broadcast %squeeze3A_242 : f32 to vector<16xf32>
            %add3A_244 = arith.addf %broadcast_in_dim3A_5, %add3A_243 : vector<16xf32>
            %swap3A_245 = arith.index_cast %min3A_205 : i32 to index
            %swap3A_246 = tpu.vector_load %arg22[%swap3A_245] {strides = array<i32>} : memref<2064xf32, #tpu.memory_space<vmem>>, vector<16xf32>,
            %swap3A_247 = vector.shape_cast %swap3A_246 : vector<16xf32> to vector<16xf32>
            %swap3A_248 = vector.shape_cast %add3A_244 : vector<16xf32> to vector<16xf32>
            tpu.vector_store %arg22[%swap3A_245], %swap3A_248 {strides = array<i32>} : memref<2064xf32, #tpu.memory_space<vmem>>, vector<16xf32>,
            %slice3A_249 = vector.extract_strided_slice %get3A_152 {offsets = [15], sizes = [1], strides = [1]} : vector<16xf32> to vector<1xf32>
            %squeeze3A_250 = vector.extract %slice3A_249[0] : f32 from vector<1xf32>
            %add3A_251 = vector.broadcast %squeeze3A_250 : f32 to vector<16xf32>
            %add3A_252 = arith.addf %broadcast_in_dim3A_5, %add3A_251 : vector<16xf32>
            %swap3A_253 = arith.index_cast %min3A_205 : i32 to index
            %swap3A_254 = tpu.vector_load %arg23[%swap3A_253] {strides = array<i32>} : memref<2064xf32, #tpu.memory_space<vmem>>, vector<16xf32>,
            %swap3A_255 = vector.shape_cast %swap3A_254 : vector<16xf32> to vector<16xf32>
            %swap3A_256 = vector.shape_cast %add3A_252 : vector<16xf32> to vector<16xf32>
            tpu.vector_store %arg23[%swap3A_253], %swap3A_256 {strides = array<i32>} : memref<2064xf32, #tpu.memory_space<vmem>>, vector<16xf32>,
          } else {
          }
        } else {
        }
        %add3A_140 = arith.addi %scan3A_40, %add3A_136 : i32
        scf.yield %add3A_140 : i32
      }
      %scan3A_38 = arith.constant 625 : i32
      scf.yield %scan3A_37 : i32
    }
    %scan3A_19 = arith.constant 5 : i32
    %min3A = arith.constant 2047 : i32
    %min3A_20 = arith.minsi %scan3A_18, %min3A : i32
    %swap3A = arith.index_cast %min3A_20 : i32 to index
    %swap3A_21 = tpu.vector_load %arg18[%swap3A] {strides = array<i32>} : memref<2064xf32, #tpu.memory_space<vmem>>, vector<16xf32>,
    %swap3A_22 = vector.shape_cast %swap3A_21 : vector<16xf32> to vector<16xf32>
    %swap3A_23 = vector.shape_cast %broadcast_in_dim3A_3 : vector<16xf32> to vector<16xf32>
    tpu.vector_store %arg18[%swap3A], %swap3A_23 {strides = array<i32>} : memref<2064xf32, #tpu.memory_space<vmem>>, vector<16xf32>,
    %mul3A_24 = arith.constant 2048 : i32
    %mul3A_25 = arith.muli %add3A, %mul3A_24 : i32
    "tpu.region"() ({
      %run_scoped3A = tpu.sem_alloc : memref<!tpu.dma_semaphore, #tpu.memory_space<semaphore_mem>>
      %dma_start3A = arith.constant 0 : i32
      %dma_start3A_26 = tpu.memref_slice %arg18[%dma_start3A] : memref<2064xf32, #tpu.memory_space<vmem>> -> memref<2048xf32, #tpu.memory_space<vmem>>
      %dma_start3A_27 = tpu.memref_slice %arg7[%mul3A_25] : memref<65536xf32, #tpu.memory_space<hbm>> -> memref<2048xf32, #tpu.memory_space<hbm>>
      %dma_start3A_28 = tpu.memref_slice %arg7[%mul3A_25] : memref<65536xf32, #tpu.memory_space<hbm>> -> memref<2048xf32, #tpu.memory_space<hbm>>
      %dma_start3A_29 = arith.constant 0 : i32
      %dma_start3A_30 = tpu.memref_slice %arg18[%dma_start3A_29] : memref<2064xf32, #tpu.memory_space<vmem>> -> memref<2048xf32, #tpu.memory_space<vmem>>
      tpu.enqueue_dma source(%dma_start3A_30 : memref<2048xf32, #tpu.memory_space<vmem>>) target(%dma_start3A_28 : memref<2048xf32, #tpu.memory_space<hbm>>) target_semaphore(%run_scoped3A : memref<!tpu.dma_semaphore, #tpu.memory_space<semaphore_mem>>)
      %dma_wait3A = arith.constant 0 : i32
      %dma_wait3A_31 = tpu.memref_slice %arg18[%dma_wait3A] : memref<2064xf32, #tpu.memory_space<vmem>> -> memref<2048xf32, #tpu.memory_space<vmem>>
      %dma_wait3A_32 = tpu.memref_slice %arg7[%mul3A_25] : memref<65536xf32, #tpu.memory_space<hbm>> -> memref<2048xf32, #tpu.memory_space<hbm>>
      %dma_wait3A_33 = tpu.memref_slice %arg7[%mul3A_25] : memref<65536xf32, #tpu.memory_space<hbm>> -> memref<2048xf32, #tpu.memory_space<hbm>>
      %dma_wait3A_34 = arith.constant 0 : i32
      %dma_wait3A_35 = tpu.memref_slice %arg18[%dma_wait3A_34] : memref<2064xf32, #tpu.memory_space<vmem>> -> memref<2048xf32, #tpu.memory_space<vmem>>
      tpu.wait_dma2 semaphore(%run_scoped3A : memref<!tpu.dma_semaphore, #tpu.memory_space<semaphore_mem>>) src(%dma_wait3A_35 : memref<2048xf32, #tpu.memory_space<vmem>>) dst(%dma_wait3A_33 : memref<2048xf32, #tpu.memory_space<hbm>>)
      tpu.yield
    }) : () -> ()
    "tpu.region"() ({
      %run_scoped3A = tpu.sem_alloc : memref<!tpu.dma_semaphore, #tpu.memory_space<semaphore_mem>>
      %dma_start3A = arith.constant 0 : i32
      %dma_start3A_26 = tpu.memref_slice %arg19[%dma_start3A] : memref<2064xi32, #tpu.memory_space<vmem>> -> memref<2048xi32, #tpu.memory_space<vmem>>
      %dma_start3A_27 = tpu.memref_slice %arg8[%mul3A_25] : memref<65536xi32, #tpu.memory_space<hbm>> -> memref<2048xi32, #tpu.memory_space<hbm>>
      %dma_start3A_28 = tpu.memref_slice %arg8[%mul3A_25] : memref<65536xi32, #tpu.memory_space<hbm>> -> memref<2048xi32, #tpu.memory_space<hbm>>
      %dma_start3A_29 = arith.constant 0 : i32
      %dma_start3A_30 = tpu.memref_slice %arg19[%dma_start3A_29] : memref<2064xi32, #tpu.memory_space<vmem>> -> memref<2048xi32, #tpu.memory_space<vmem>>
      tpu.enqueue_dma source(%dma_start3A_30 : memref<2048xi32, #tpu.memory_space<vmem>>) target(%dma_start3A_28 : memref<2048xi32, #tpu.memory_space<hbm>>) target_semaphore(%run_scoped3A : memref<!tpu.dma_semaphore, #tpu.memory_space<semaphore_mem>>)
      %dma_wait3A = arith.constant 0 : i32
      %dma_wait3A_31 = tpu.memref_slice %arg19[%dma_wait3A] : memref<2064xi32, #tpu.memory_space<vmem>> -> memref<2048xi32, #tpu.memory_space<vmem>>
      %dma_wait3A_32 = tpu.memref_slice %arg8[%mul3A_25] : memref<65536xi32, #tpu.memory_space<hbm>> -> memref<2048xi32, #tpu.memory_space<hbm>>
      %dma_wait3A_33 = tpu.memref_slice %arg8[%mul3A_25] : memref<65536xi32, #tpu.memory_space<hbm>> -> memref<2048xi32, #tpu.memory_space<hbm>>
      %dma_wait3A_34 = arith.constant 0 : i32
      %dma_wait3A_35 = tpu.memref_slice %arg19[%dma_wait3A_34] : memref<2064xi32, #tpu.memory_space<vmem>> -> memref<2048xi32, #tpu.memory_space<vmem>>
      tpu.wait_dma2 semaphore(%run_scoped3A : memref<!tpu.dma_semaphore, #tpu.memory_space<semaphore_mem>>) src(%dma_wait3A_35 : memref<2048xi32, #tpu.memory_space<vmem>>) dst(%dma_wait3A_33 : memref<2048xi32, #tpu.memory_space<hbm>>)
      tpu.yield
    }) : () -> ()
    "tpu.region"() ({
      %run_scoped3A = tpu.sem_alloc : memref<!tpu.dma_semaphore, #tpu.memory_space<semaphore_mem>>
      %dma_start3A = arith.constant 0 : i32
      %dma_start3A_26 = tpu.memref_slice %arg20[%dma_start3A] : memref<2064xf32, #tpu.memory_space<vmem>> -> memref<2048xf32, #tpu.memory_space<vmem>>
      %dma_start3A_27 = tpu.memref_slice %arg9[%mul3A_25] : memref<65536xf32, #tpu.memory_space<hbm>> -> memref<2048xf32, #tpu.memory_space<hbm>>
      %dma_start3A_28 = tpu.memref_slice %arg9[%mul3A_25] : memref<65536xf32, #tpu.memory_space<hbm>> -> memref<2048xf32, #tpu.memory_space<hbm>>
      %dma_start3A_29 = arith.constant 0 : i32
      %dma_start3A_30 = tpu.memref_slice %arg20[%dma_start3A_29] : memref<2064xf32, #tpu.memory_space<vmem>> -> memref<2048xf32, #tpu.memory_space<vmem>>
      tpu.enqueue_dma source(%dma_start3A_30 : memref<2048xf32, #tpu.memory_space<vmem>>) target(%dma_start3A_28 : memref<2048xf32, #tpu.memory_space<hbm>>) target_semaphore(%run_scoped3A : memref<!tpu.dma_semaphore, #tpu.memory_space<semaphore_mem>>)
      %dma_wait3A = arith.constant 0 : i32
      %dma_wait3A_31 = tpu.memref_slice %arg20[%dma_wait3A] : memref<2064xf32, #tpu.memory_space<vmem>> -> memref<2048xf32, #tpu.memory_space<vmem>>
      %dma_wait3A_32 = tpu.memref_slice %arg9[%mul3A_25] : memref<65536xf32, #tpu.memory_space<hbm>> -> memref<2048xf32, #tpu.memory_space<hbm>>
      %dma_wait3A_33 = tpu.memref_slice %arg9[%mul3A_25] : memref<65536xf32, #tpu.memory_space<hbm>> -> memref<2048xf32, #tpu.memory_space<hbm>>
      %dma_wait3A_34 = arith.constant 0 : i32
      %dma_wait3A_35 = tpu.memref_slice %arg20[%dma_wait3A_34] : memref<2064xf32, #tpu.memory_space<vmem>> -> memref<2048xf32, #tpu.memory_space<vmem>>
      tpu.wait_dma2 semaphore(%run_scoped3A : memref<!tpu.dma_semaphore, #tpu.memory_space<semaphore_mem>>) src(%dma_wait3A_35 : memref<2048xf32, #tpu.memory_space<vmem>>) dst(%dma_wait3A_33 : memref<2048xf32, #tpu.memory_space<hbm>>)
      tpu.yield
    }) : () -> ()
    "tpu.region"() ({
      %run_scoped3A = tpu.sem_alloc : memref<!tpu.dma_semaphore, #tpu.memory_space<semaphore_mem>>
      %dma_start3A = arith.constant 0 : i32
      %dma_start3A_26 = tpu.memref_slice %arg21[%dma_start3A] : memref<2064xf32, #tpu.memory_space<vmem>> -> memref<2048xf32, #tpu.memory_space<vmem>>
      %dma_start3A_27 = tpu.memref_slice %arg10[%mul3A_25] : memref<65536xf32, #tpu.memory_space<hbm>> -> memref<2048xf32, #tpu.memory_space<hbm>>
      %dma_start3A_28 = tpu.memref_slice %arg10[%mul3A_25] : memref<65536xf32, #tpu.memory_space<hbm>> -> memref<2048xf32, #tpu.memory_space<hbm>>
      %dma_start3A_29 = arith.constant 0 : i32
      %dma_start3A_30 = tpu.memref_slice %arg21[%dma_start3A_29] : memref<2064xf32, #tpu.memory_space<vmem>> -> memref<2048xf32, #tpu.memory_space<vmem>>
      tpu.enqueue_dma source(%dma_start3A_30 : memref<2048xf32, #tpu.memory_space<vmem>>) target(%dma_start3A_28 : memref<2048xf32, #tpu.memory_space<hbm>>) target_semaphore(%run_scoped3A : memref<!tpu.dma_semaphore, #tpu.memory_space<semaphore_mem>>)
      %dma_wait3A = arith.constant 0 : i32
      %dma_wait3A_31 = tpu.memref_slice %arg21[%dma_wait3A] : memref<2064xf32, #tpu.memory_space<vmem>> -> memref<2048xf32, #tpu.memory_space<vmem>>
      %dma_wait3A_32 = tpu.memref_slice %arg10[%mul3A_25] : memref<65536xf32, #tpu.memory_space<hbm>> -> memref<2048xf32, #tpu.memory_space<hbm>>
      %dma_wait3A_33 = tpu.memref_slice %arg10[%mul3A_25] : memref<65536xf32, #tpu.memory_space<hbm>> -> memref<2048xf32, #tpu.memory_space<hbm>>
      %dma_wait3A_34 = arith.constant 0 : i32
      %dma_wait3A_35 = tpu.memref_slice %arg21[%dma_wait3A_34] : memref<2064xf32, #tpu.memory_space<vmem>> -> memref<2048xf32, #tpu.memory_space<vmem>>
      tpu.wait_dma2 semaphore(%run_scoped3A : memref<!tpu.dma_semaphore, #tpu.memory_space<semaphore_mem>>) src(%dma_wait3A_35 : memref<2048xf32, #tpu.memory_space<vmem>>) dst(%dma_wait3A_33 : memref<2048xf32, #tpu.memory_space<hbm>>)
      tpu.yield
    }) : () -> ()
    "tpu.region"() ({
      %run_scoped3A = tpu.sem_alloc : memref<!tpu.dma_semaphore, #tpu.memory_space<semaphore_mem>>
      %dma_start3A = arith.constant 0 : i32
      %dma_start3A_26 = tpu.memref_slice %arg22[%dma_start3A] : memref<2064xf32, #tpu.memory_space<vmem>> -> memref<2048xf32, #tpu.memory_space<vmem>>
      %dma_start3A_27 = tpu.memref_slice %arg11[%mul3A_25] : memref<65536xf32, #tpu.memory_space<hbm>> -> memref<2048xf32, #tpu.memory_space<hbm>>
      %dma_start3A_28 = tpu.memref_slice %arg11[%mul3A_25] : memref<65536xf32, #tpu.memory_space<hbm>> -> memref<2048xf32, #tpu.memory_space<hbm>>
      %dma_start3A_29 = arith.constant 0 : i32
      %dma_start3A_30 = tpu.memref_slice %arg22[%dma_start3A_29] : memref<2064xf32, #tpu.memory_space<vmem>> -> memref<2048xf32, #tpu.memory_space<vmem>>
      tpu.enqueue_dma source(%dma_start3A_30 : memref<2048xf32, #tpu.memory_space<vmem>>) target(%dma_start3A_28 : memref<2048xf32, #tpu.memory_space<hbm>>) target_semaphore(%run_scoped3A : memref<!tpu.dma_semaphore, #tpu.memory_space<semaphore_mem>>)
      %dma_wait3A = arith.constant 0 : i32
      %dma_wait3A_31 = tpu.memref_slice %arg22[%dma_wait3A] : memref<2064xf32, #tpu.memory_space<vmem>> -> memref<2048xf32, #tpu.memory_space<vmem>>
      %dma_wait3A_32 = tpu.memref_slice %arg11[%mul3A_25] : memref<65536xf32, #tpu.memory_space<hbm>> -> memref<2048xf32, #tpu.memory_space<hbm>>
      %dma_wait3A_33 = tpu.memref_slice %arg11[%mul3A_25] : memref<65536xf32, #tpu.memory_space<hbm>> -> memref<2048xf32, #tpu.memory_space<hbm>>
      %dma_wait3A_34 = arith.constant 0 : i32
      %dma_wait3A_35 = tpu.memref_slice %arg22[%dma_wait3A_34] : memref<2064xf32, #tpu.memory_space<vmem>> -> memref<2048xf32, #tpu.memory_space<vmem>>
      tpu.wait_dma2 semaphore(%run_scoped3A : memref<!tpu.dma_semaphore, #tpu.memory_space<semaphore_mem>>) src(%dma_wait3A_35 : memref<2048xf32, #tpu.memory_space<vmem>>) dst(%dma_wait3A_33 : memref<2048xf32, #tpu.memory_space<hbm>>)
      tpu.yield
    }) : () -> ()
    "tpu.region"() ({
      %run_scoped3A = tpu.sem_alloc : memref<!tpu.dma_semaphore, #tpu.memory_space<semaphore_mem>>
      %dma_start3A = arith.constant 0 : i32
      %dma_start3A_26 = tpu.memref_slice %arg23[%dma_start3A] : memref<2064xf32, #tpu.memory_space<vmem>> -> memref<2048xf32, #tpu.memory_space<vmem>>
      %dma_start3A_27 = tpu.memref_slice %arg12[%mul3A_25] : memref<65536xf32, #tpu.memory_space<hbm>> -> memref<2048xf32, #tpu.memory_space<hbm>>
      %dma_start3A_28 = tpu.memref_slice %arg12[%mul3A_25] : memref<65536xf32, #tpu.memory_space<hbm>> -> memref<2048xf32, #tpu.memory_space<hbm>>
      %dma_start3A_29 = arith.constant 0 : i32
      %dma_start3A_30 = tpu.memref_slice %arg23[%dma_start3A_29] : memref<2064xf32, #tpu.memory_space<vmem>> -> memref<2048xf32, #tpu.memory_space<vmem>>
      tpu.enqueue_dma source(%dma_start3A_30 : memref<2048xf32, #tpu.memory_space<vmem>>) target(%dma_start3A_28 : memref<2048xf32, #tpu.memory_space<hbm>>) target_semaphore(%run_scoped3A : memref<!tpu.dma_semaphore, #tpu.memory_space<semaphore_mem>>)
      %dma_wait3A = arith.constant 0 : i32
      %dma_wait3A_31 = tpu.memref_slice %arg23[%dma_wait3A] : memref<2064xf32, #tpu.memory_space<vmem>> -> memref<2048xf32, #tpu.memory_space<vmem>>
      %dma_wait3A_32 = tpu.memref_slice %arg12[%mul3A_25] : memref<65536xf32, #tpu.memory_space<hbm>> -> memref<2048xf32, #tpu.memory_space<hbm>>
      %dma_wait3A_33 = tpu.memref_slice %arg12[%mul3A_25] : memref<65536xf32, #tpu.memory_space<hbm>> -> memref<2048xf32, #tpu.memory_space<hbm>>
      %dma_wait3A_34 = arith.constant 0 : i32
      %dma_wait3A_35 = tpu.memref_slice %arg23[%dma_wait3A_34] : memref<2064xf32, #tpu.memory_space<vmem>> -> memref<2048xf32, #tpu.memory_space<vmem>>
      tpu.wait_dma2 semaphore(%run_scoped3A : memref<!tpu.dma_semaphore, #tpu.memory_space<semaphore_mem>>) src(%dma_wait3A_35 : memref<2048xf32, #tpu.memory_space<vmem>>) dst(%dma_wait3A_33 : memref<2048xf32, #tpu.memory_space<hbm>>)
      tpu.yield
    }) : () -> ()
    return
  }
}

module attributes {stable_mosaic.version = 14 : i64} {
  func.func @_nms_body(%arg0: memref<512x128xf32, #tpu.memory_space<vmem>>, %arg1: memref<512x128xi32, #tpu.memory_space<vmem>>, %arg2: memref<512x128xf32, #tpu.memory_space<vmem>>, %arg3: memref<512x128xf32, #tpu.memory_space<vmem>>, %arg4: memref<512x128xf32, #tpu.memory_space<vmem>>, %arg5: memref<512x128xf32, #tpu.memory_space<vmem>>, %arg6: memref<8x128xf32, #tpu.memory_space<vmem>>) attributes {dimension_semantics = [], scalar_prefetch = 0 : i64, scratch_operands = 0 : i64, tpu.core_type = #tpu.core_type<tc>} {
    %get3A = arith.constant 0 : index
    %get3A_0 = arith.constant 0 : index
    %get3A_1 = vector.load %arg0[%get3A, %get3A_0] : memref<512x128xf32, #tpu.memory_space<vmem>>, vector<512x128xf32>
    %get3A_2 = arith.constant 0 : index
    %get3A_3 = arith.constant 0 : index
    %get3A_4 = vector.load %arg1[%get3A_2, %get3A_3] : memref<512x128xi32, #tpu.memory_space<vmem>>, vector<512x128xi32>
    %get3A_5 = arith.constant 0 : index
    %get3A_6 = arith.constant 0 : index
    %get3A_7 = vector.load %arg2[%get3A_5, %get3A_6] : memref<512x128xf32, #tpu.memory_space<vmem>>, vector<512x128xf32>
    %jit3A = arith.constant 0.000000e+00 : f32
    %jit3A_8 = arith.constant 1.333000e+03 : f32
    %max3A = vector.broadcast %jit3A : f32 to vector<512x128xf32>
    %max3A_9 = arith.maximumf %max3A, %get3A_7 : vector<512x128xf32>
    %min3A = vector.broadcast %jit3A_8 : f32 to vector<512x128xf32>
    %min3A_10 = arith.minimumf %min3A, %max3A_9 : vector<512x128xf32>
    %get3A_11 = arith.constant 0 : index
    %get3A_12 = arith.constant 0 : index
    %get3A_13 = vector.load %arg3[%get3A_11, %get3A_12] : memref<512x128xf32, #tpu.memory_space<vmem>>, vector<512x128xf32>
    %jit3A_14 = arith.constant 0.000000e+00 : f32
    %jit3A_15 = arith.constant 8.000000e+02 : f32
    %max3A_16 = vector.broadcast %jit3A_14 : f32 to vector<512x128xf32>
    %max3A_17 = arith.maximumf %max3A_16, %get3A_13 : vector<512x128xf32>
    %min3A_18 = vector.broadcast %jit3A_15 : f32 to vector<512x128xf32>
    %min3A_19 = arith.minimumf %min3A_18, %max3A_17 : vector<512x128xf32>
    %get3A_20 = arith.constant 0 : index
    %get3A_21 = arith.constant 0 : index
    %get3A_22 = vector.load %arg4[%get3A_20, %get3A_21] : memref<512x128xf32, #tpu.memory_space<vmem>>, vector<512x128xf32>
    %jit3A_23 = arith.constant 0.000000e+00 : f32
    %jit3A_24 = arith.constant 1.333000e+03 : f32
    %max3A_25 = vector.broadcast %jit3A_23 : f32 to vector<512x128xf32>
    %max3A_26 = arith.maximumf %max3A_25, %get3A_22 : vector<512x128xf32>
    %min3A_27 = vector.broadcast %jit3A_24 : f32 to vector<512x128xf32>
    %min3A_28 = arith.minimumf %min3A_27, %max3A_26 : vector<512x128xf32>
    %get3A_29 = arith.constant 0 : index
    %get3A_30 = arith.constant 0 : index
    %get3A_31 = vector.load %arg5[%get3A_29, %get3A_30] : memref<512x128xf32, #tpu.memory_space<vmem>>, vector<512x128xf32>
    %jit3A_32 = arith.constant 0.000000e+00 : f32
    %jit3A_33 = arith.constant 8.000000e+02 : f32
    %max3A_34 = vector.broadcast %jit3A_32 : f32 to vector<512x128xf32>
    %max3A_35 = arith.maximumf %max3A_34, %get3A_31 : vector<512x128xf32>
    %min3A_36 = vector.broadcast %jit3A_33 : f32 to vector<512x128xf32>
    %min3A_37 = arith.minimumf %min3A_36, %max3A_35 : vector<512x128xf32>
    %gt3A = arith.constant 5.000000e-02 : f32
    %gt3A_38 = vector.broadcast %gt3A : f32 to vector<512x128xf32>
    %gt3A_39 = arith.cmpf ogt, %get3A_1, %gt3A_38 : vector<512x128xf32>
    %jit3A_40 = arith.constant 80 : i32
    %eq3A = arith.constant 0 : i32
    %eq3A_41 = arith.cmpi eq, %jit3A_40, %eq3A : i32
    %jit3A_42 = arith.constant 1 : i32
    %select_n3A = arith.select %eq3A_41, %jit3A_42, %jit3A_40 : i32
    %rem3A = vector.broadcast %select_n3A : i32 to vector<512x128xi32>
    %rem3A_43 = arith.remsi %get3A_4, %rem3A : vector<512x128xi32>
    %ne3A = arith.constant 0 : i32
    %ne3A_44 = vector.broadcast %ne3A : i32 to vector<512x128xi32>
    %ne3A_45 = arith.cmpi ne, %rem3A_43, %ne3A_44 : vector<512x128xi32>
    %lt3A = arith.constant 0 : i32
    %lt3A_46 = vector.broadcast %lt3A : i32 to vector<512x128xi32>
    %lt3A_47 = arith.cmpi slt, %rem3A_43, %lt3A_46 : vector<512x128xi32>
    %lt3A_48 = arith.constant 0 : i32
    %lt3A_49 = arith.cmpi slt, %select_n3A, %lt3A_48 : i32
    %ne3A_50 = vector.broadcast %lt3A_49 : i1 to vector<512x128xi1>
    %ne3A_51 = vector.broadcast %ne3A_50 : vector<512x128xi1> to vector<512x128xi1>
    %ne3A_52 = arith.xori %lt3A_47, %ne3A_51 : vector<512x128xi1>
    %and3A = arith.andi %ne3A_52, %ne3A_45 : vector<512x128xi1>
    %add3A = vector.broadcast %select_n3A : i32 to vector<512x128xi32>
    %add3A_53 = arith.addi %rem3A_43, %add3A : vector<512x128xi32>
    %select_n3A_54 = arith.select %and3A, %add3A_53, %rem3A_43 : vector<512x128xi1>, vector<512x128xi32>
    %convert_element_type3A = arith.sitofp %select_n3A_54 : vector<512x128xi32> to vector<512x128xf32>
    %max3A_55 = arith.maximumf %min3A_10, %min3A_19 : vector<512x128xf32>
    %max3A_56 = arith.maximumf %min3A_28, %min3A_37 : vector<512x128xf32>
    %max3A_57 = arith.maximumf %max3A_55, %max3A_56 : vector<512x128xf32>
    %jit3A_58 = arith.constant 0xFF800000 : f32
    %broadcast_in_dim3A = vector.broadcast %jit3A_58 : f32 to vector<512x128xf32>
    %select_n3A_59 = arith.select %gt3A_39, %max3A_57, %broadcast_in_dim3A : vector<512x128xi1>, vector<512x128xf32>
    %reduce_max3A = vector.shape_cast %select_n3A_59 : vector<512x128xf32> to vector<1x512x128xf32>
    %reduce_max3A_60 = arith.constant dense<0xFF800000> : vector<1xf32>
    %reduce_max3A_61 = vector.multi_reduction <maximumf>, %reduce_max3A, %reduce_max3A_60 [1, 2] : vector<1x512x128xf32> to vector<1xf32>
    %reduce_max3A_62 = vector.shape_cast %reduce_max3A_61 : vector<1xf32> to vector<1x1x1xf32>
    %reduce_max3A_63 = vector.extract %reduce_max3A_62[0, 0, 0] : f32 from vector<1x1x1xf32>
    %add3A_64 = arith.constant 1.000000e+00 : f32
    %add3A_65 = arith.addf %reduce_max3A_63, %add3A_64 : f32
    %mul3A = vector.broadcast %add3A_65 : f32 to vector<512x128xf32>
    %mul3A_66 = arith.mulf %convert_element_type3A, %mul3A : vector<512x128xf32>
    %add3A_67 = arith.addf %min3A_10, %mul3A_66 : vector<512x128xf32>
    %add3A_68 = arith.addf %min3A_19, %mul3A_66 : vector<512x128xf32>
    %add3A_69 = arith.addf %min3A_28, %mul3A_66 : vector<512x128xf32>
    %add3A_70 = arith.addf %min3A_37, %mul3A_66 : vector<512x128xf32>
    %sub3A = arith.subf %add3A_69, %add3A_67 : vector<512x128xf32>
    %max3A_71 = arith.constant 0.000000e+00 : f32
    %max3A_72 = vector.broadcast %max3A_71 : f32 to vector<512x128xf32>
    %max3A_73 = arith.maximumf %sub3A, %max3A_72 : vector<512x128xf32>
    %sub3A_74 = arith.subf %add3A_70, %add3A_68 : vector<512x128xf32>
    %max3A_75 = arith.constant 0.000000e+00 : f32
    %max3A_76 = vector.broadcast %max3A_75 : f32 to vector<512x128xf32>
    %max3A_77 = arith.maximumf %sub3A_74, %max3A_76 : vector<512x128xf32>
    %mul3A_78 = arith.mulf %max3A_73, %max3A_77 : vector<512x128xf32>
    %iota3A = tpu.iota {dimensions = array<i32: 0>} : vector<512x128xi32>
    %iota3A_79 = tpu.iota {dimensions = array<i32: 1>} : vector<512x128xi32>
    %mul3A_80 = arith.constant 128 : i32
    %mul3A_81 = vector.broadcast %mul3A_80 : i32 to vector<512x128xi32>
    %mul3A_82 = arith.muli %iota3A, %mul3A_81 : vector<512x128xi32>
    %add3A_83 = arith.addi %mul3A_82, %iota3A_79 : vector<512x128xi32>
    %jit3A_84 = arith.constant 0xFF800000 : f32
    %broadcast_in_dim3A_85 = vector.broadcast %jit3A_84 : f32 to vector<512x128xf32>
    %select_n3A_86 = arith.select %gt3A_39, %get3A_1, %broadcast_in_dim3A_85 : vector<512x128xi1>, vector<512x128xf32>
    %iota3A_87 = tpu.iota {dimensions = array<i32: 0>} : vector<8x128xi32>
    %iota3A_88 = tpu.iota {dimensions = array<i32: 1>} : vector<8x128xi32>
    %broadcast_in_dim3A_89 = arith.constant 0.000000e+00 : f32
    %broadcast_in_dim3A_90 = vector.broadcast %broadcast_in_dim3A_89 : f32 to vector<8x128xf32>
    %scan3A = arith.constant 0xFF800000 : f32
    %scan3A_91 = arith.constant 0.000000e+00 : f32
    %scan3A_92 = arith.constant 0 : i32
    %scan3A_93 = arith.constant 100 : i32
    %scan3A_94 = arith.addi %scan3A_92, %scan3A_93 : i32
    %scan3A_95 = arith.constant 1 : i32
    %scan3A_96:2 = scf.for %scan3A_100 = %scan3A_92 to %scan3A_94 step %scan3A_95 iter_args(%scan3A_101 = %select_n3A_86, %scan3A_102 = %broadcast_in_dim3A_90) -> (vector<512x128xf32>, vector<8x128xf32>)  : i32 {
      %reduce_max3A_103 = vector.shape_cast %scan3A_101 : vector<512x128xf32> to vector<1x512x128xf32>
      %reduce_max3A_104 = arith.constant dense<0xFF800000> : vector<1xf32>
      %reduce_max3A_105 = vector.multi_reduction <maximumf>, %reduce_max3A_103, %reduce_max3A_104 [1, 2] : vector<1x512x128xf32> to vector<1xf32>
      %reduce_max3A_106 = vector.shape_cast %reduce_max3A_105 : vector<1xf32> to vector<1x1x1xf32>
      %reduce_max3A_107 = vector.extract %reduce_max3A_106[0, 0, 0] : f32 from vector<1x1x1xf32>
      %gt3A_108 = arith.cmpf ogt, %reduce_max3A_107, %scan3A : f32
      %eq3A_109 = vector.broadcast %reduce_max3A_107 : f32 to vector<512x128xf32>
      %eq3A_110 = arith.cmpf oeq, %scan3A_101, %eq3A_109 : vector<512x128xf32>
      %jit3A_111 = arith.constant 2147483647 : i32
      %broadcast_in_dim3A_112 = vector.broadcast %jit3A_111 : i32 to vector<512x128xi32>
      %select_n3A_113 = arith.select %eq3A_110, %add3A_83, %broadcast_in_dim3A_112 : vector<512x128xi1>, vector<512x128xi32>
      %reduce_min3A = vector.shape_cast %select_n3A_113 : vector<512x128xi32> to vector<1x512x128xi32>
      %reduce_min3A_114 = arith.constant dense<2147483647> : vector<1xi32>
      %reduce_min3A_115 = vector.multi_reduction <minsi>, %reduce_min3A, %reduce_min3A_114 [1, 2] : vector<1x512x128xi32> to vector<1xi32>
      %reduce_min3A_116 = vector.shape_cast %reduce_min3A_115 : vector<1xi32> to vector<1x1x1xi32>
      %reduce_min3A_117 = vector.extract %reduce_min3A_116[0, 0, 0] : i32 from vector<1x1x1xi32>
      %eq3A_118 = vector.broadcast %reduce_min3A_117 : i32 to vector<512x128xi32>
      %eq3A_119 = arith.cmpi eq, %add3A_83, %eq3A_118 : vector<512x128xi32>
      %broadcast_in_dim3A_120 = vector.broadcast %scan3A_91 : f32 to vector<512x128xf32>
      %select_n3A_121 = arith.select %eq3A_119, %min3A_10, %broadcast_in_dim3A_120 : vector<512x128xi1>, vector<512x128xf32>
      %reduce_sum3A = vector.shape_cast %select_n3A_121 : vector<512x128xf32> to vector<1x512x128xf32>
      %reduce_sum3A_122 = arith.constant dense<0.000000e+00> : vector<1xf32>
      %reduce_sum3A_123 = vector.multi_reduction <add>, %reduce_sum3A, %reduce_sum3A_122 [1, 2] : vector<1x512x128xf32> to vector<1xf32>
      %reduce_sum3A_124 = vector.shape_cast %reduce_sum3A_123 : vector<1xf32> to vector<1x1x1xf32>
      %reduce_sum3A_125 = vector.extract %reduce_sum3A_124[0, 0, 0] : f32 from vector<1x1x1xf32>
      %broadcast_in_dim3A_126 = vector.broadcast %scan3A_91 : f32 to vector<512x128xf32>
      %select_n3A_127 = arith.select %eq3A_119, %min3A_19, %broadcast_in_dim3A_126 : vector<512x128xi1>, vector<512x128xf32>
      %reduce_sum3A_128 = vector.shape_cast %select_n3A_127 : vector<512x128xf32> to vector<1x512x128xf32>
      %reduce_sum3A_129 = arith.constant dense<0.000000e+00> : vector<1xf32>
      %reduce_sum3A_130 = vector.multi_reduction <add>, %reduce_sum3A_128, %reduce_sum3A_129 [1, 2] : vector<1x512x128xf32> to vector<1xf32>
      %reduce_sum3A_131 = vector.shape_cast %reduce_sum3A_130 : vector<1xf32> to vector<1x1x1xf32>
      %reduce_sum3A_132 = vector.extract %reduce_sum3A_131[0, 0, 0] : f32 from vector<1x1x1xf32>
      %broadcast_in_dim3A_133 = vector.broadcast %scan3A_91 : f32 to vector<512x128xf32>
      %select_n3A_134 = arith.select %eq3A_119, %min3A_28, %broadcast_in_dim3A_133 : vector<512x128xi1>, vector<512x128xf32>
      %reduce_sum3A_135 = vector.shape_cast %select_n3A_134 : vector<512x128xf32> to vector<1x512x128xf32>
      %reduce_sum3A_136 = arith.constant dense<0.000000e+00> : vector<1xf32>
      %reduce_sum3A_137 = vector.multi_reduction <add>, %reduce_sum3A_135, %reduce_sum3A_136 [1, 2] : vector<1x512x128xf32> to vector<1xf32>
      %reduce_sum3A_138 = vector.shape_cast %reduce_sum3A_137 : vector<1xf32> to vector<1x1x1xf32>
      %reduce_sum3A_139 = vector.extract %reduce_sum3A_138[0, 0, 0] : f32 from vector<1x1x1xf32>
      %broadcast_in_dim3A_140 = vector.broadcast %scan3A_91 : f32 to vector<512x128xf32>
      %select_n3A_141 = arith.select %eq3A_119, %min3A_37, %broadcast_in_dim3A_140 : vector<512x128xi1>, vector<512x128xf32>
      %reduce_sum3A_142 = vector.shape_cast %select_n3A_141 : vector<512x128xf32> to vector<1x512x128xf32>
      %reduce_sum3A_143 = arith.constant dense<0.000000e+00> : vector<1xf32>
      %reduce_sum3A_144 = vector.multi_reduction <add>, %reduce_sum3A_142, %reduce_sum3A_143 [1, 2] : vector<1x512x128xf32> to vector<1xf32>
      %reduce_sum3A_145 = vector.shape_cast %reduce_sum3A_144 : vector<1xf32> to vector<1x1x1xf32>
      %reduce_sum3A_146 = vector.extract %reduce_sum3A_145[0, 0, 0] : f32 from vector<1x1x1xf32>
      %broadcast_in_dim3A_147 = vector.broadcast %scan3A_91 : f32 to vector<512x128xf32>
      %select_n3A_148 = arith.select %eq3A_119, %convert_element_type3A, %broadcast_in_dim3A_147 : vector<512x128xi1>, vector<512x128xf32>
      %reduce_sum3A_149 = vector.shape_cast %select_n3A_148 : vector<512x128xf32> to vector<1x512x128xf32>
      %reduce_sum3A_150 = arith.constant dense<0.000000e+00> : vector<1xf32>
      %reduce_sum3A_151 = vector.multi_reduction <add>, %reduce_sum3A_149, %reduce_sum3A_150 [1, 2] : vector<1x512x128xf32> to vector<1xf32>
      %reduce_sum3A_152 = vector.shape_cast %reduce_sum3A_151 : vector<1xf32> to vector<1x1x1xf32>
      %reduce_sum3A_153 = vector.extract %reduce_sum3A_152[0, 0, 0] : f32 from vector<1x1x1xf32>
      %add3A_154 = arith.constant 1.000000e+00 : f32
      %add3A_155 = arith.addf %reduce_max3A_63, %add3A_154 : f32
      %mul3A_156 = arith.mulf %reduce_sum3A_153, %add3A_155 : f32
      %add3A_157 = arith.addf %reduce_sum3A_125, %mul3A_156 : f32
      %add3A_158 = arith.addf %reduce_sum3A_132, %mul3A_156 : f32
      %add3A_159 = arith.addf %reduce_sum3A_139, %mul3A_156 : f32
      %add3A_160 = arith.addf %reduce_sum3A_146, %mul3A_156 : f32
      %sub3A_161 = arith.subf %add3A_159, %add3A_157 : f32
      %max3A_162 = arith.constant 0.000000e+00 : f32
      %max3A_163 = arith.maximumf %sub3A_161, %max3A_162 : f32
      %sub3A_164 = arith.subf %add3A_160, %add3A_158 : f32
      %max3A_165 = arith.constant 0.000000e+00 : f32
      %max3A_166 = arith.maximumf %sub3A_164, %max3A_165 : f32
      %mul3A_167 = arith.mulf %max3A_163, %max3A_166 : f32
      %max3A_168 = vector.broadcast %add3A_157 : f32 to vector<512x128xf32>
      %max3A_169 = arith.maximumf %max3A_168, %add3A_67 : vector<512x128xf32>
      %max3A_170 = vector.broadcast %add3A_158 : f32 to vector<512x128xf32>
      %max3A_171 = arith.maximumf %max3A_170, %add3A_68 : vector<512x128xf32>
      %min3A_172 = vector.broadcast %add3A_159 : f32 to vector<512x128xf32>
      %min3A_173 = arith.minimumf %min3A_172, %add3A_69 : vector<512x128xf32>
      %min3A_174 = vector.broadcast %add3A_160 : f32 to vector<512x128xf32>
      %min3A_175 = arith.minimumf %min3A_174, %add3A_70 : vector<512x128xf32>
      %sub3A_176 = arith.subf %min3A_173, %max3A_169 : vector<512x128xf32>
      %max3A_177 = arith.constant 0.000000e+00 : f32
      %max3A_178 = vector.broadcast %max3A_177 : f32 to vector<512x128xf32>
      %max3A_179 = arith.maximumf %sub3A_176, %max3A_178 : vector<512x128xf32>
      %sub3A_180 = arith.subf %min3A_175, %max3A_171 : vector<512x128xf32>
      %max3A_181 = arith.constant 0.000000e+00 : f32
      %max3A_182 = vector.broadcast %max3A_181 : f32 to vector<512x128xf32>
      %max3A_183 = arith.maximumf %sub3A_180, %max3A_182 : vector<512x128xf32>
      %mul3A_184 = arith.mulf %max3A_179, %max3A_183 : vector<512x128xf32>
      %add3A_185 = vector.broadcast %mul3A_167 : f32 to vector<512x128xf32>
      %add3A_186 = arith.addf %add3A_185, %mul3A_78 : vector<512x128xf32>
      %sub3A_187 = arith.subf %add3A_186, %mul3A_184 : vector<512x128xf32>
      %add3A_188 = arith.constant 9.99999971E-10 : f32
      %add3A_189 = vector.broadcast %add3A_188 : f32 to vector<512x128xf32>
      %add3A_190 = arith.addf %sub3A_187, %add3A_189 : vector<512x128xf32>
      %div3A = arith.divf %mul3A_184, %add3A_190 : vector<512x128xf32>
      %gt3A_191 = arith.constant 5.000000e-01 : f32
      %gt3A_192 = vector.broadcast %gt3A_191 : f32 to vector<512x128xf32>
      %gt3A_193 = arith.cmpf ogt, %div3A, %gt3A_192 : vector<512x128xf32>
      %eq3A_194 = vector.broadcast %reduce_min3A_117 : i32 to vector<512x128xi32>
      %eq3A_195 = arith.cmpi eq, %add3A_83, %eq3A_194 : vector<512x128xi32>
      %or3A = arith.ori %gt3A_193, %eq3A_195 : vector<512x128xi1>
      %and3A_196 = vector.broadcast %gt3A_108 : i1 to vector<512x128xi1>
      %and3A_197 = arith.andi %and3A_196, %or3A : vector<512x128xi1>
      %broadcast_in_dim3A_198 = vector.broadcast %scan3A : f32 to vector<512x128xf32>
      %select_n3A_199 = arith.select %and3A_197, %broadcast_in_dim3A_198, %scan3A_101 : vector<512x128xi1>, vector<512x128xf32>
      %select_n3A_200 = arith.select %gt3A_108, %reduce_sum3A_125, %scan3A_91 : f32
      %select_n3A_201 = arith.select %gt3A_108, %reduce_sum3A_132, %scan3A_91 : f32
      %select_n3A_202 = arith.select %gt3A_108, %reduce_sum3A_139, %scan3A_91 : f32
      %select_n3A_203 = arith.select %gt3A_108, %reduce_sum3A_146, %scan3A_91 : f32
      %select_n3A_204 = arith.select %gt3A_108, %reduce_max3A_107, %scan3A_91 : f32
      %select_n3A_205 = arith.select %gt3A_108, %reduce_sum3A_153, %scan3A_91 : f32
      %eq3A_206 = arith.constant 0 : i32
      %eq3A_207 = vector.broadcast %eq3A_206 : i32 to vector<8x128xi32>
      %eq3A_208 = arith.cmpi eq, %iota3A_87, %eq3A_207 : vector<8x128xi32>
      %eq3A_209 = arith.constant 1 : i32
      %eq3A_210 = vector.broadcast %eq3A_209 : i32 to vector<8x128xi32>
      %eq3A_211 = arith.cmpi eq, %iota3A_87, %eq3A_210 : vector<8x128xi32>
      %eq3A_212 = arith.constant 2 : i32
      %eq3A_213 = vector.broadcast %eq3A_212 : i32 to vector<8x128xi32>
      %eq3A_214 = arith.cmpi eq, %iota3A_87, %eq3A_213 : vector<8x128xi32>
      %eq3A_215 = arith.constant 3 : i32
      %eq3A_216 = vector.broadcast %eq3A_215 : i32 to vector<8x128xi32>
      %eq3A_217 = arith.cmpi eq, %iota3A_87, %eq3A_216 : vector<8x128xi32>
      %eq3A_218 = arith.constant 4 : i32
      %eq3A_219 = vector.broadcast %eq3A_218 : i32 to vector<8x128xi32>
      %eq3A_220 = arith.cmpi eq, %iota3A_87, %eq3A_219 : vector<8x128xi32>
      %broadcast_in_dim3A_221 = vector.broadcast %select_n3A_204 : f32 to vector<8x128xf32>
      %broadcast_in_dim3A_222 = vector.broadcast %select_n3A_205 : f32 to vector<8x128xf32>
      %select_n3A_223 = arith.select %eq3A_220, %broadcast_in_dim3A_221, %broadcast_in_dim3A_222 : vector<8x128xi1>, vector<8x128xf32>
      %broadcast_in_dim3A_224 = vector.broadcast %select_n3A_203 : f32 to vector<8x128xf32>
      %select_n3A_225 = arith.select %eq3A_217, %broadcast_in_dim3A_224, %select_n3A_223 : vector<8x128xi1>, vector<8x128xf32>
      %broadcast_in_dim3A_226 = vector.broadcast %select_n3A_202 : f32 to vector<8x128xf32>
      %select_n3A_227 = arith.select %eq3A_214, %broadcast_in_dim3A_226, %select_n3A_225 : vector<8x128xi1>, vector<8x128xf32>
      %broadcast_in_dim3A_228 = vector.broadcast %select_n3A_201 : f32 to vector<8x128xf32>
      %select_n3A_229 = arith.select %eq3A_211, %broadcast_in_dim3A_228, %select_n3A_227 : vector<8x128xi1>, vector<8x128xf32>
      %broadcast_in_dim3A_230 = vector.broadcast %select_n3A_200 : f32 to vector<8x128xf32>
      %select_n3A_231 = arith.select %eq3A_208, %broadcast_in_dim3A_230, %select_n3A_229 : vector<8x128xi1>, vector<8x128xf32>
      %eq3A_232 = vector.broadcast %scan3A_100 : i32 to vector<8x128xi32>
      %eq3A_233 = arith.cmpi eq, %iota3A_88, %eq3A_232 : vector<8x128xi32>
      %select_n3A_234 = arith.select %eq3A_233, %select_n3A_231, %scan3A_102 : vector<8x128xi1>, vector<8x128xf32>
      scf.yield %select_n3A_199, %select_n3A_234 : vector<512x128xf32>, vector<8x128xf32>
    }
    %scan3A_97 = arith.constant 100 : i32
    %swap3A = arith.constant 0 : index
    %swap3A_98 = arith.constant 0 : index
    %swap3A_99 = vector.load %arg6[%swap3A, %swap3A_98] : memref<8x128xf32, #tpu.memory_space<vmem>>, vector<8x128xf32>
    tpu.vector_store %arg6[%swap3A, %swap3A_98], %scan3A_96#1 {strides = array<i32>} : memref<8x128xf32, #tpu.memory_space<vmem>>, vector<8x128xf32>,
    return
  }
}

</mosaic_0001>

<sc_bundles>
// kernel: kernel.4.cloned.1.call-start
scs
__scs_entry_jumppad:
0x0: {  	(pc) =	sbr.rel $0x88, $3  }
0x1: {  	(tag) =	ssettag $0x0;
	lr =	simm.s32 $0x1  }
0x2: {  	[smem:$0x3F9F] =	sst lr;
	_ =	strace $0xD0000000  }
0x3: {  	_ = 	snop  }
0x4: {  	_ = 	snop  }
0x5: {  	_ = 	snop  }
0x6: {  	_ = 	snop  }
0x7: {  	_ = 	snop  }
__scs_overlays_trampoline_lowered:
0x8: {  	[smem:$0x3FAE] =	sst s0  }
0x9: {  	[smem:$0x3FAF] =	sst s1  }
0xa: {  	[smem:$0x3FB0] =	sst s2  }
0xb: {  	[smem:$0x3FB1] =	sst s3  }
0xc: {  	[smem:$0x3FB2] =	sst s4  }
0xd: {  	[smem:$0x3FB3] =	sst s5  }
0xe: {  	[smem:$0x3FB4] =	sst s6  }
0xf: {  	[smem:$0x3FB5] =	sst s7  }
0x10: {  	[smem:$0x3FB6] =	sst s8  }
0x11: {  	[smem:$0x3FB7] =	sst s9;
	s0 =	simm.s32 @!p0 $0x0  }
0x12: {  	s1 =	sld [smem:$0x3F9D];
	s0 =	simm.s32 @p0 $0x1  }
0x13: {  	[smem:$0x3FB8] =	sst s0;
	s0 =	simm.s32 @!p1 $0x0  }
0x14: {  	s2 =	sld [smem:$0x3F9C];
	s0 =	simm.s32 @p1 $0x1  }
0x15: {  	[smem:$0x3FB9] =	sst s0;
	s0 =	simm.s32 @!p2 $0x0  }
0x16: {  	s3 =	sld [smem:$0x3FDB];
	s0 =	simm.s32 @p2 $0x1  }
0x17: {  	s4 =	simm.s32 $0x1BF5;
	[smem:$0x3FBB] =	sst s0  }
0x18: {  	s0 =	sld [smem:$0x3F9E];
	_ =	swait.ge [sflag:s4], $0x0  }
0x19: {  	s7 =	sld [smem:$0x3F9F]  }
0x1a: {  	s8 =	sadd.s32 $0xFFFFE003, lr  }
0x1b: {  	s9 =	sadd.s32 $0xFFFFFEF7, lr;
	s5 =	simm.s32 $0xFFFFFFFF;
	p2 =	slt.u32 s8, $0xFFFFF086  }
0x1c: {  	p1 =	slt.u32 s9, $0xF7A;
	s5 =	simm.s32 @!p2 $0x0  }
0x1d: {  	s5 =	simm.s32 @p1 $0x1;
	p0 =	seq.s32 s7, s2  }
0x1e: {  	s7 =	smul.u32 @!p0 $0xF7A, s2;
	p2 =	seq.s32 @!p0 s5, $0x0  }
0x1f: {  	s9 =	smul.u32 $0xF7A, s1;
	s8 =	simm.s32 @!p0 $0x1BF5;
	p2 =	por !p2, p0  }
0x20: {  	[sflag:s8] =	ssyncset.s32 @!p0 $0xFFFFF086;
	s6 =	sadd.s32 @!p0 s3, s7;
	s7 =	simm.s32 @!p0 $0x108  }
0x21: {  	s3 =	sadd.s32 s3, s9;
	s6 =	sadd.s32 @!p0 $0x88, s6;
	s7 =	simm.s32 @p2 $0x1082  }
0x22: {  	[simem:s7], [sflag:s8] =	dma.local @!p0 [hbm:s6], $0xF7A  }
0x23: {  	s9 =	sor.u32 $0xD0000000, s2;
	s6 =	simm.s32 $0x108;
	_ =	swait.ge @!p0 [sflag:s8], $0x0  }
0x24: {  	s3 =	sadd.s32 $0x88, s3;
	s6 =	simm.s32 @!p1 $0x1082;
	[sflag:s4] =	ssyncset.s32 $0xFFFFF086  }
0x25: {  	[simem:s6], [sflag:s4] =	dma.local [hbm:s3], $0xF7A  }
0x26: {  	[smem:$0x3F9F] =	sst s1;
	(tag) =	ssettag s2;
	_ =	strace s9  }
0x27: {  	s1 =	sld [smem:$0x3FAF]  }
0x28: {  	s2 =	sld [smem:$0x3FB0]  }
0x29: {  	s4 =	sld [smem:$0x3FB2]  }
0x2a: {  	p0 =	seq.s32 s5, $0x0;
	s5 =	sld [smem:$0x3FB3]  }
0x2b: {  	s6 =	sld [smem:$0x3FB4]  }
0x2c: {  	s7 =	sld [smem:$0x3FB5]  }
0x2d: {  	s3 =	simm.s32 $0x108;
	s8 =	sld [smem:$0x3FB6]  }
0x2e: {  	s3 =	simm.s32 @!p0 $0x1082;
	s9 =	sld [smem:$0x3FB7]  }
0x2f: {  	lr =	sadd.s32 s0, s3;
	s0 =	sld [smem:$0x3FAE]  }
0x30: {  	s3 =	sld [smem:$0x3FB1]  }
0x31: {  	[smem:$0x3FBA] =	sst s10  }
0x32: {  	s10 =	sld [smem:$0x3FB8];
	_ =	sdelay $0x3  }
0x33: {  	p0 =	seq.s32 s10, $0x1;
	s10 =	sld [smem:$0x3FBA];
	_ =	sdelay $0x3  }
0x34: {  	[smem:$0x3FBA] =	sst s10  }
0x35: {  	s10 =	sld [smem:$0x3FB9];
	_ =	sdelay $0x3  }
0x36: {  	p1 =	seq.s32 s10, $0x1;
	s10 =	sld [smem:$0x3FBA];
	_ =	sdelay $0x3  }
0x37: {  	[smem:$0x3FBA] =	sst s10  }
0x38: {  	s10 =	sld [smem:$0x3FBB]  }
0x39: {  	_ = 	snop;
	(pc) =	sbr.ind lr, $3  }
0x3a: {  	_ = 	snop  }
0x3b: {  	_ = 	snop  }
0x3c: {  	p2 =	seq.s32 s10, $0x1;
	s10 =	sld [smem:$0x3FBA]  }
0x3d: {  	_ =	shalt  }
0x3e: {  	_ =	shalt  }
0x3f: {  	_ =	shalt  }
0x40: {  	_ =	shalt  }
0x41: {  	_ =	shalt  }
0x42: {  	_ =	shalt  }
0x43: {  	_ =	shalt  }
0x44: {  	_ =	shalt  }
0x45: {  	_ =	shalt  }
0x46: {  	_ =	shalt  }
0x47: {  	_ =	shalt  }
0x48: {  	_ =	shalt  }
0x49: {  	_ =	shalt  }
0x4a: {  	_ =	shalt  }
0x4b: {  	_ =	shalt  }
0x4c: {  	_ =	shalt  }
0x4d: {  	_ =	shalt  }
0x4e: {  	_ =	shalt  }
0x4f: {  	_ =	shalt  }
0x50: {  	_ =	shalt  }
0x51: {  	_ =	shalt  }
0x52: {  	_ =	shalt  }
0x53: {  	_ =	shalt  }
0x54: {  	_ =	shalt  }
0x55: {  	_ =	shalt  }
0x56: {  	_ =	shalt  }
0x57: {  	_ =	shalt  }
0x58: {  	_ =	shalt  }
0x59: {  	_ =	shalt  }
0x5a: {  	_ =	shalt  }
0x5b: {  	_ =	shalt  }
0x5c: {  	_ =	shalt  }
0x5d: {  	_ =	shalt  }
0x5e: {  	_ =	shalt  }
0x5f: {  	_ =	shalt  }
0x60: {  	_ =	shalt  }
0x61: {  	_ =	shalt  }
0x62: {  	_ =	shalt  }
0x63: {  	_ =	shalt  }
0x64: {  	_ =	shalt  }
0x65: {  	_ =	shalt  }
0x66: {  	_ =	shalt  }
0x67: {  	_ =	shalt  }
0x68: {  	_ =	shalt  }
0x69: {  	_ =	shalt  }
0x6a: {  	_ =	shalt  }
0x6b: {  	_ =	shalt  }
0x6c: {  	_ =	shalt  }
0x6d: {  	_ =	shalt  }
0x6e: {  	_ =	shalt  }
0x6f: {  	_ =	shalt  }
0x70: {  	_ =	shalt  }
0x71: {  	_ =	shalt  }
0x72: {  	_ =	shalt  }
0x73: {  	_ =	shalt  }
0x74: {  	_ =	shalt  }
0x75: {  	_ =	shalt  }
0x76: {  	_ =	shalt  }
0x77: {  	_ =	shalt  }
0x78: {  	_ =	shalt  }
0x79: {  	_ =	shalt  }
0x7a: {  	_ =	shalt  }
0x7b: {  	_ =	shalt  }
0x7c: {  	_ =	shalt  }
0x7d: {  	_ =	shalt  }
0x7e: {  	_ =	shalt  }
0x7f: {  	_ =	shalt  }
0x80: {  	_ =	shalt  }
0x81: {  	_ =	shalt  }
0x82: {  	_ =	shalt  }
0x83: {  	_ =	shalt  }
0x84: {  	_ =	shalt  }
0x85: {  	_ =	shalt  }
0x86: {  	_ =	shalt  }
0x87: {  	_ =	shalt  }
.Lfunc_end0:
.L_simem_size_0:
called_computation_lowered:
.L_overlay_start_0:
0x88: {  	s2 =	sld [smem:$0x3FD9]  }
0x89: {  	s3 =	sld [smem:$0x3FFE];
	_ =	sdelay $0x1  }
0x8a: {  	s1 =	srdreg.scid  }
0x8b: {  	s0 =	sand.u32 $0x1, s1  }
0x8c: {  	s16 =	sshll.u32 s0, $0xA;
	s2 =	sadd.s32 s3, s2  }
0x8d: {  	s2 =	sadd.s32 s2, s16  }
0x8e: {  	[smem:$0x3FC6] =	sst s2  }
0x8f: {  	_ = 	snop  }
0x90: {  	(tm) =	ssettm $0x1  }
0x91: {  	s17 =	sld [smem:$0x3FFB];
	_ =	sdelay $0x3  }
0x92: {  	_ =	strace s17  }
0x93: {  	s2 =	sld [smem:$0x3FFC];
	_ =	sdelay $0x3  }
0x94: {  	_ =	strace s2  }
0x95: {  	s2 =	sld [smem:$0x3FFD];
	_ =	sdelay $0x3  }
0x96: {  	_ =	strace s2  }
0x97: {  	_ =	strace $0x8FFFFFFF  }
0x98: {  	s18 =	sld [smem:$0x3FDB];
	_ =	sdelay $0x1  }
0x99: {  	s19 =	simm.s32 $_scs_section_size  }
0x9a: {  	s4 =	simm.s32 $_size__tile_overlayer_lowered;
	s5 =	simm.s32 $_tile_overlayer_lowered  }
0x9b: {  	s22 =	simm.s32 $0x1BFF;
	s21 =	sshll.u32 s5, $0x1;
	s2 =	sadd.s32 s19, s18  }
0x9c: {  	s6 =	simm.s32 $0x0;
	s20 =	sshll.u32 s4, $0x1;
	s4 =	sadd.s32 s21, s2  }
0x9d: {  	[timem:s6], [sflag:s22] =	dma.local [hbm:s4], s20  }
0x9e: {  	_ =	swait.ge [sflag:s22], s20  }
0x9f: {  	s3 =	ssub.s32 $0x0, s20;
	[sflag:s22] =	ssyncset.done $0x0  }
0xa0: {  	[sflag:s22] =	ssyncadd.s32 s3;
	_ =	sdelay $0x1  }
0xa1: {  	s23 =	simm.s32 $0x1B8B  }
0xa2: {  	_ =	swait.ge [sflag:s23], $0x1  }
0xa3: {  	[sflag:s23] =	ssyncset.done $0x0  }
0xa4: {  	s25 =	simm.s32 $0x1B8E;
	s24 =	sld [smem:$0x3FFE];
	[sflag:s23] =	ssyncadd.s32 $0xFFFFFFFF  }
0xa5: {  	s26 =	simm.s32 $execute0_lowered;
	[smem:$0x3FD2] =	sst s25  }
0xa6: {  	s4 =	sshll.u32 s26, $0x1;
	_ =	strace $0x80000046;
	[dreg:$0x1] =	wrdreg $0xFFFFFFFF  }
0xa7: {  	s28 =	simm.s32 $_size_execute0_lowered;
	s2 =	sadd.s32 s2, s4;
	[dreg:$0x0] =	wrdreg $0x0  }
0xa8: {  	s4 =	sshll.u32 s28, $0x1;
	[dreg:$0x2] =	wrdreg s2  }
0xa9: {  	[dreg:$0x3] =	wrdreg s4  }
0xaa: {  	[dreg:$0x4] =	wrdreg $0xC0  }
0xab: {  	_ =	task [dreg:s6], $0x5FFFF  }
0xac: {  	[dreg:$0x1] =	wrdreg $0xFFFFFFFF  }
0xad: {  	[dreg:$0x0] =	wrdreg $0x60  }
0xae: {  	[dreg:$0x2] =	wrdreg s24  }
0xaf: {  	[dreg:$0x3] =	wrdreg $0x9  }
0xb0: {  	_ =	task.clear_ibuf [dreg:s6], $0x4FFFF;
	_ =	strace $0x90000046  }
0xb1: {  	s29 =	simm.s32 $0x9;
	_ =	strace $0x80000048  }
0xb2: {  	_ =	swait.ge [sflag:s29], $0x1  }
0xb3: {  	[sflag:s29] =	ssyncadd.s32 $0xFFFFFFFF  }
0xb4: {  	_ =	strace $0x90000048  }
0xb5: {  	_ =	sfence  }
0xb6: {  	s30 =	sld [smem:$0x0];
	_ =	sdelay $0x2  }
0xb7: {  	s31 =	sshll.u32 s1, $0xD;
	s1 =	sshrl.u32 s1, $0x2  }
0xb8: {  	s3 =	sand.u32 $0x4000, s31;
	s1 =	sadd.s32 s1, s30  }
0xb9: {  	s0 =	sor.u32 s3, s0;
	s1 =	sshll.u32 s1, $0x11  }
0xba: {  	s0 =	sor.u32 s1, s0  }
0xbb: {  	s0 =	sadd.s32 $0x8F2B, s0  }
0xbc: {  	[sflag:s0] =	ssyncadd.remote.s32 $0x1  }
0xbd: {  	_ =	sfence.sel $0xFFFF  }
0xbe: {  	[dreg:$0x0] =	wrdreg $0xFFFFFFFF;
	(pc) =	sbr.abs _section_cstart, $3  }
0xbf: {  	[dreg:$0x1] =	wrdreg $0xFFFFFFFF  }
0xc0: {  	_ =	task.clear_ibuf [dreg:s6], $0x2FFFF;
	_ =	strace $0x9FFFFFFF  }
0xc1: {  	(tm) =	ssettm $0x7FFFFFFF  }
tec
execute0_lowered:
.L_overlay_start_1:
0x0: {  	(tag) =	ssettag $0x1  }
0x1: {  	s0 =	rddreg [dreg:$0x0]  }
0x2: {  	s1 =	simm.s32 $0x0;
	s20 =	srdreg.scid;
	s6 =	stileid.u32  }
0x3: {  	[smem:$0x7FF] =	sst s1;
	s18 =	sadd.s32 $0x600, s0;
	s19 =	sadd.s32 $0x18FD000, s0  }
0x4: {  	s2 =	sadd.s32 $0x18CC200, s0;
	_ =	strace $0x80000047;
	[dreg:$0x2] =	wrdreg s18  }
0x5: {  	s1 =	sand.u32 $0x1, s20;
	s21 =	sshll.u32 s6, $0x1;
	[dreg:$0x3] =	wrdreg s19  }
0x6: {  	s3 =	sadd.s32 $0x189B400, s0;
	s26 =	smul.u32 $0x186A0, s6;
	[dreg:$0x4] =	wrdreg s2  }
0x7: {  	s2 =	sor.u32 s1, s21;
	s22 =	ssub.s32 $0x2, s1;
	s1 =	smul.u32 $0xC350, s1  }
0x8: {  	s4 =	sadd.s32 $0x186A600, s0;
	[dreg:$0x5] =	wrdreg s3;
	s23 =	sshll.u32 s2, $0x8  }
0x9: {  	[dreg:$0x6] =	wrdreg s4;
	s0 =	sadd.s32 s23, s0;
	s31 =	sadd.s32 s1, s26  }
0xa: {  	s24 =	sadd.s32 $0x31400, s0;
	[dreg:$0xe] =	wrdreg s31  }
0xb: {  	s25 =	sadd.s32 $0x33400, s0;
	[dreg:$0x7] =	wrdreg s24  }
0xc: {  	s17 =	simm.s32 $0x1;
	s4 =	sadd.s32 $0x35400, s0;
	[dreg:$0x8] =	wrdreg s25  }
.Ltmp0:
0xd: {  	s28 =	sadd.s32 $0x37400, s0;
	[dreg:$0x9] =	wrdreg s4;
	(pc) =	sbr.rel .LBB2_1-.Ltmp0, $4  }
0xe: {  	s5 =	sshrl.u32 s22, $0x1;
	s29 =	sadd.s32 $0x39400, s0;
	[dreg:$0xa] =	wrdreg s28  }
0xf: {  	s3 =	ssub.s32 s22, s5;
	s0 =	sadd.s32 $0x3B400, s0;
	[dreg:$0xb] =	wrdreg s29  }
0x10: {  	s8 =	smul.u32 $0xC350, s2;
	s30 =	smax.u32 s3, $0x1;
	[dreg:$0xc] =	wrdreg s0  }
0x11: {  	v0 =	vimm.f32 $-Inf;
	v1 =	vimm.s32 $0x0;
	v2 =	vimm.f32 $0.0e+00;
	s1 =	simm.s32 $0x0;
	[dreg:$0xd] =	wrdreg s30;
	s25 =	simm.s32 $0x0  }
.LBB2_9:
0x12: {  	p0 =	slt.s32 s22, $0x7FF  }
0x13: {  	s22 =	simm.s32 @!p0 $0x7FF  }
0x14: {  	s0 =	simm.s32 $0x0;
	s1 =	rddreg [dreg:$0x7];
	s2 =	simm.s32 $0xC580;
	[tilespmem:s22+$0xC580] =	vst v0  }
0x15: {  	[hbm4b:s1+s0] =	stream.linear.scatter [tilespmem:s2], [sflag:$0x1], $0x800, $0x38;
	[tilespmem:$0xF880] =	vst v63  }
0x16: {  	_ =	swait.ge [sflag:s17], $0x800  }
0x17: {  	[sflag:s17] =	ssyncset.done $0x0  }
0x18: {  	s19 =	simm.s32 $0xCE00;
	s18 =	rddreg [dreg:$0x8];
	[sflag:s17] =	ssyncadd.s32 $0xFFFFF800  }
0x19: {  	[hbm4b:s18+s0] =	stream.linear.scatter [tilespmem:s19], [sflag:$0x1], $0x800, $0x38;
	[tilespmem:$0xF880] =	vst v63  }
0x1a: {  	_ =	swait.ge [sflag:s17], $0x800  }
0x1b: {  	[sflag:s17] =	ssyncset.done $0x0  }
0x1c: {  	s21 =	simm.s32 $0xD680;
	s20 =	rddreg [dreg:$0x9];
	[sflag:s17] =	ssyncadd.s32 $0xFFFFF800  }
0x1d: {  	[hbm4b:s20+s0] =	stream.linear.scatter [tilespmem:s21], [sflag:$0x1], $0x800, $0x38;
	[tilespmem:$0xF880] =	vst v63  }
0x1e: {  	_ =	swait.ge [sflag:s17], $0x800  }
0x1f: {  	[sflag:s17] =	ssyncset.done $0x0  }
0x20: {  	s23 =	simm.s32 $0xDF00;
	s22 =	rddreg [dreg:$0xa];
	[sflag:s17] =	ssyncadd.s32 $0xFFFFF800  }
0x21: {  	[hbm4b:s22+s0] =	stream.linear.scatter [tilespmem:s23], [sflag:$0x1], $0x800, $0x38;
	[tilespmem:$0xF880] =	vst v63  }
0x22: {  	_ =	swait.ge [sflag:s17], $0x800  }
0x23: {  	[sflag:s17] =	ssyncset.done $0x0  }
0x24: {  	s26 =	simm.s32 $0xE780;
	s24 =	rddreg [dreg:$0xb];
	[sflag:s17] =	ssyncadd.s32 $0xFFFFF800  }
0x25: {  	[hbm4b:s24+s0] =	stream.linear.scatter [tilespmem:s26], [sflag:$0x1], $0x800, $0x38;
	[tilespmem:$0xF880] =	vst v63  }
0x26: {  	_ =	swait.ge [sflag:s17], $0x800  }
0x27: {  	[sflag:s17] =	ssyncset.done $0x0  }
0x28: {  	s29 =	simm.s32 $0xF000;
	s28 =	rddreg [dreg:$0xc];
	[sflag:s17] =	ssyncadd.s32 $0xFFFFF800  }
0x29: {  	[hbm4b:s28+s0] =	stream.linear.scatter [tilespmem:s29], [sflag:$0x1], $0x800, $0x38;
	[tilespmem:$0xF880] =	vst v63  }
0x2a: {  	_ =	swait.ge [sflag:s17], $0x800  }
0x2b: {  	s30 =	rddreg [dreg:$0xf]  }
0x2c: {  	s31 =	rddreg [dreg:$0xd];
	s1 =	sadd.s32 $0x1, s30  }
0x2d: {  	p0 =	sne.s32 s1, s31  }
.Ltmp1:
0x2e: {  	_ = 	snop;
	(pc) =	sbr.rel @!p0 .LBB2_10-.Ltmp1, $3  }
0x2f: {  	_ =	sdelay $0x1  }
0x30: {  	[sflag:s17] =	ssyncset.done $0x0  }
0x31: {  	[sflag:s17] =	ssyncadd.s32 $0xFFFFF800  }
.LBB2_1:
0x32: {  	s0 =	simm.s32 $0x0  }
0x33: {  	[tilespmem:s0+$0xF000] =	vst v2  }
0x34: {  	[tilespmem:s0+$0xC580] =	vst v0  }
0x35: {  	[tilespmem:s0+$0xCE00] =	vst v1  }
0x36: {  	[tilespmem:s0+$0xD680] =	vst v2  }
0x37: {  	[dreg:$0xf] =	wrdreg s1;
	s1 =	simm.s32 $0x40;
	[tilespmem:s0+$0xDF00] =	vst v2  }
.LBB2_2:
0x38: {  	p0 =	sne.s32 s1, $0x2000;
	[tilespmem:s0+$0xE780] =	vst v2;
	s0 =	sshra.s32 s1, $0x2;
	s1 =	sadd.s32 $0x40, s1  }
.Ltmp2:
0x39: {  	[tilespmem:s0+$0xF000] =	vst v2;
	(pc) =	sbr.rel @p0 .LBB2_2-.Ltmp2, $4  }
0x3a: {  	[tilespmem:s0+$0xC580] =	vst v0  }
0x3b: {  	[tilespmem:s0+$0xCE00] =	vst v1  }
0x3c: {  	[tilespmem:s0+$0xD680] =	vst v2  }
0x3d: {  	[tilespmem:s0+$0xDF00] =	vst v2  }
.Ltmp3:
0x3e: {  	(pc) =	sbr.rel .LBB2_4-.Ltmp3, $2  }
0x3f: {  	_ =	sdelay $0x2  }
0x40: {  	[tilespmem:s0+$0xE780] =	vst v2;
	s28 =	rddreg [dreg:$0xe];
	s22 =	simm.s32 $0x0;
	s29 =	simm.s32 $0x0  }
.LBB2_8:
0x41: {  	s29 =	sadd.s32 $0x1, s29  }
0x42: {  	p0 =	sne.s32 s29, $0x5  }
.Ltmp4:
0x43: {  	_ = 	snop;
	(pc) =	sbr.rel @!p0 .LBB2_9-.Ltmp4, $2  }
0x44: {  	_ =	sdelay $0x2  }
0x45: {  	s28 =	sadd.s32 $0x2710, s28  }
.LBB2_4:
0x46: {  	s0 =	smul.u32 $0x2710, s29;
	_ =	sdelay $0x1  }
0x47: {  	s0 =	sadd.s32 s8, s0  }
0x48: {  	s20 =	rddreg [dreg:$0x2];
	s1 =	sshrl.u32 s0, $0x3  }
0x49: {  	s0 =	sadd.s32 s20, s1  }
0x4a: {  	[tilespmem:s25], [sflag:$0x1] =	stream.linear.gather [hbm4b:s0+s25], $0x2710, $0x38;
	[tilespmem:$0xF880] =	vst v63  }
0x4b: {  	_ =	swait.ge [sflag:s17], $0x2710  }
0x4c: {  	[sflag:s17] =	ssyncset.done $0x0;
	s21 =	rddreg [dreg:$0x3]  }
0x4d: {  	s30 =	simm.s32 $0x2780;
	[sflag:s17] =	ssyncadd.s32 $0xFFFFD8F0;
	s0 =	sadd.s32 s21, s1  }
0x4e: {  	[tilespmem:s30], [sflag:$0x1] =	stream.linear.gather [hbm4b:s0+s25], $0x2710, $0x38;
	[tilespmem:$0xF880] =	vst v63  }
0x4f: {  	_ =	swait.ge [sflag:s17], $0x2710  }
0x50: {  	[sflag:s17] =	ssyncset.done $0x0;
	s23 =	rddreg [dreg:$0x4]  }
0x51: {  	s31 =	simm.s32 $0x4F00;
	[sflag:s17] =	ssyncadd.s32 $0xFFFFD8F0;
	s0 =	sadd.s32 s23, s1  }
0x52: {  	[tilespmem:s31], [sflag:$0x1] =	stream.linear.gather [hbm4b:s0+s25], $0x2710, $0x38;
	[tilespmem:$0xF880] =	vst v63  }
0x53: {  	_ =	swait.ge [sflag:s17], $0x2710  }
0x54: {  	[sflag:s17] =	ssyncset.done $0x0;
	s24 =	rddreg [dreg:$0x5]  }
0x55: {  	s0 =	simm.s32 $0x7680;
	[sflag:s17] =	ssyncadd.s32 $0xFFFFD8F0;
	s2 =	sadd.s32 s24, s1  }
0x56: {  	[tilespmem:s0], [sflag:$0x1] =	stream.linear.gather [hbm4b:s2+s25], $0x2710, $0x38;
	[tilespmem:$0xF880] =	vst v63  }
0x57: {  	_ =	swait.ge [sflag:s17], $0x2710  }
0x58: {  	s2 =	simm.s32 $0x9E00;
	[sflag:s17] =	ssyncset.done $0x0;
	s26 =	rddreg [dreg:$0x6]  }
.Ltmp5:
0x59: {  	[sflag:s17] =	ssyncadd.s32 $0xFFFFD8F0;
	s1 =	sadd.s32 s26, s1;
	(pc) =	sbr.rel .LBB2_5-.Ltmp5, $4  }
0x5a: {  	[tilespmem:s2], [sflag:$0x1] =	stream.linear.gather [hbm4b:s1+s25], $0x2710, $0x38;
	[tilespmem:$0xF880] =	vst v63  }
0x5b: {  	_ =	swait.ge [sflag:s17], $0x2710  }
0x5c: {  	[sflag:s17] =	ssyncset.done $0x0  }
0x5d: {  	s18 =	simm.s32 $0x0;
	s19 =	simm.s32 $0x0;
	[sflag:s17] =	ssyncadd.s32 $0xFFFFD8F0  }
.LBB2_7:
0x5e: {  	s19 =	sadd.s32 $0x10, s19  }
0x5f: {  	p0 =	sne.s32 s19, $0x2710  }
.Ltmp6:
0x60: {  	_ = 	snop;
	(pc) =	sbr.rel @!p0 .LBB2_8-.Ltmp6, $3  }
0x61: {  	_ =	sdelay $0x1  }
0x62: {  	s22 =	sadd.s32 s22, s20;
	s18 =	sadd.s32 $0x10, s18;
	s30 =	sadd.s32 $0x10, s30  }
0x63: {  	s31 =	sadd.s32 $0x10, s31;
	s0 =	sadd.s32 $0x10, s0;
	s2 =	sadd.s32 $0x10, s2  }
.LBB2_5:
0x64: {  	v3 =	vld [tilespmem:s18+$0x0];
	_ =	sdelay $0x4  }
0x65: {  	(v2sf) =	vpush v3, $0x0  }
0x66: {  	(v2sf) =	vpush v3, $0x1  }
0x67: {  	(v2sf) =	vpush v3, $0x2  }
0x68: {  	(v2sf) =	vpush v3, $0x3  }
0x69: {  	(v2sf) =	vpush v3, $0x4;
	_ =	sdelay $0x1  }
0x6a: {  	(v2sf) =	vpush v3, $0x5  }
0x6b: {  	(v2sf) =	vpush v3, $0x6;
	_ =	sdelay $0x1  }
0x6c: {  	(v2sf) =	vpush v3, $0x7  }
0x6d: {  	(v2sf) =	vpush v3, $0x8  }
0x6e: {  	(v2sf) =	vpush v3, $0x9;
	_ =	sdelay $0x1  }
0x6f: {  	(v2sf) =	vpush v3, $0xA  }
0x70: {  	(v2sf) =	vpush v3, $0xB  }
0x71: {  	(v2sf) =	vpush v3, $0xC;
	s1 =	spop (v2sf)  }
0x72: {  	s3 =	spop (v2sf)  }
0x73: {  	s7 =	simm.s32 $0x1;
	(v2sf) =	vpush v3, $0xD;
	p1 =	sgt.f32 s1, $5.000000070e-02;
	s4 =	spop (v2sf)  }
0x74: {  	(v2sf) =	vpush v3, $0xE;
	s1 =	simm.s32 $0x1;
	p0 =	sgt.f32 s3, $5.000000070e-02;
	s5 =	spop (v2sf)  }
0x75: {  	s3 =	simm.s32 $0x1;
	p6 =	sgt.f32 s4, $5.000000070e-02;
	s9 =	spop (v2sf)  }
0x76: {  	(v2sf) =	vpush v3, $0xF;
	p5 =	sgt.f32 s5, $5.000000070e-02;
	s5 =	simm.s32 $0x1;
	s1 =	simm.s32 @!p0 $0x0  }
0x77: {  	s10 =	spop (v2sf);
	p4 =	sgt.f32 s9, $5.000000070e-02;
	s5 =	simm.s32 @!p1 $0x0  }
0x78: {  	s3 =	simm.s32 @!p6 $0x0;
	s9 =	simm.s32 $0x1;
	s11 =	spop (v2sf)  }
0x79: {  	p2 =	sgt.f32 s10, $5.000000070e-02;
	s10 =	simm.s32 $0x1;
	s9 =	simm.s32 @!p5 $0x0  }
0x7a: {  	s12 =	spop (v2sf);
	p3 =	sgt.f32 s11, $5.000000070e-02;
	s10 =	simm.s32 @!p4 $0x0  }
0x7b: {  	s11 =	simm.s32 $0x1;
	s13 =	spop (v2sf);
	s4 =	simm.s32 @!p2 $0x0  }
0x7c: {  	s11 =	simm.s32 @!p2 $0x0;
	s14 =	spop (v2sf);
	s4 =	simm.s32 @p2 $0x1  }
0x7d: {  	p2 =	sgt.f32 s12, $5.000000070e-02;
	s7 =	simm.s32 @!p3 $0x0;
	s12 =	simm.s32 $0x1  }
0x7e: {  	s15 =	spop (v2sf);
	[smem:$0x7F3] =	sst s4;
	s4 =	simm.s32 @!p3 $0x0  }
0x7f: {  	s20 =	spop (v2sf);
	s4 =	simm.s32 @p3 $0x1;
	s12 =	simm.s32 @!p2 $0x0  }
0x80: {  	p3 =	sgt.f32 s13, $5.000000070e-02;
	s13 =	simm.s32 $0x1;
	s21 =	spop (v2sf)  }
0x81: {  	[smem:$0x7F4] =	sst s4;
	s4 =	sadd.s32 s1, s5;
	s1 =	simm.s32 @!p2 $0x0  }
0x82: {  	s23 =	spop (v2sf);
	s1 =	simm.s32 @p2 $0x1;
	s3 =	sadd.s32 s3, s4  }
0x83: {  	p2 =	sgt.f32 s14, $5.000000070e-02;
	s13 =	simm.s32 @!p3 $0x0;
	s26 =	spop (v2sf)  }
0x84: {  	[smem:$0x7F5] =	sst s1;
	s24 =	sadd.s32 s9, s3;
	s1 =	simm.s32 @!p3 $0x0  }
0x85: {  	s9 =	simm.s32 $0x1;
	s6 =	spop (v2sf);
	s1 =	simm.s32 @p3 $0x1  }
0x86: {  	[smem:$0x7F6] =	sst s1;
	s1 =	sadd.s32 s10, s24;
	s10 =	simm.s32 @!p2 $0x0  }
0x87: {  	s9 =	simm.s32 @!p2 $0x0;
	p3 =	sgt.f32 s15, $5.000000070e-02;
	s10 =	simm.s32 @p2 $0x1  }
0x88: {  	s16 =	sadd.s32 s11, s1;
	p2 =	sgt.f32 s20, $5.000000070e-02;
	[smem:$0x7F7] =	sst s10  }
0x89: {  	s10 =	simm.s32 $0x1;
	s15 =	sadd.s32 s7, s16;
	s7 =	simm.s32 @!p3 $0x0  }
0x8a: {  	s20 =	simm.s32 $0x1;
	s7 =	simm.s32 @p3 $0x1;
	s10 =	simm.s32 @!p3 $0x0  }
0x8b: {  	s14 =	sadd.s32 s12, s15;
	s11 =	simm.s32 @!p2 $0x0;
	p3 =	sgt.f32 s21, $5.000000070e-02  }
0x8c: {  	s21 =	simm.s32 $0x1;
	[smem:$0x7F8] =	sst s7;
	s11 =	simm.s32 @p2 $0x1  }
0x8d: {  	s7 =	simm.s32 $0x1;
	s13 =	sadd.s32 s13, s14;
	[smem:$0x7F9] =	sst s11  }
0x8e: {  	s7 =	simm.s32 @!p2 $0x0;
	s12 =	sadd.s32 s9, s13;
	s9 =	simm.s32 @!p3 $0x0  }
0x8f: {  	p2 =	sgt.f32 s23, $5.000000070e-02;
	s20 =	simm.s32 @!p3 $0x0;
	s9 =	simm.s32 @p3 $0x1  }
0x90: {  	s11 =	sadd.s32 s10, s12;
	p3 =	sgt.f32 s26, $5.000000070e-02;
	[smem:$0x7FA] =	sst s9  }
0x91: {  	s9 =	simm.s32 @!p2 $0x0;
	s21 =	simm.s32 @!p2 $0x0;
	s10 =	sadd.s32 s7, s11  }
0x92: {  	s9 =	simm.s32 @p2 $0x1;
	p2 =	sgt.f32 s6, $5.000000070e-02;
	s6 =	simm.s32 @!p3 $0x0  }
0x93: {  	s7 =	simm.s32 $0x1;
	[smem:$0x7FB] =	sst s9;
	s6 =	simm.s32 @p3 $0x1  }
0x94: {  	s7 =	simm.s32 @!p3 $0x0;
	s9 =	sadd.s32 s20, s10;
	[smem:$0x7FC] =	sst s6  }
0x95: {  	s6 =	simm.s32 $0x1;
	s23 =	sadd.s32 s21, s9;
	s20 =	simm.s32 @!p2 $0x0  }
0x96: {  	s20 =	simm.s32 @p2 $0x1;
	s6 =	simm.s32 @!p2 $0x0;
	s21 =	sadd.s32 s7, s23  }
0x97: {  	[smem:$0x7FD] =	sst s20;
	s20 =	sadd.s32 s6, s21  }
0x98: {  	p2 =	seq.s32 s20, $0x0  }
.Ltmp7:
0x99: {  	_ = 	snop;
	(pc) =	sbr.rel @p2 .LBB2_7-.Ltmp7, $1  }
0x9a: {  	_ =	sdelay $0x3  }
0x9b: {  	v7 =	vld [tilespmem:s30+$0x0]  }
0x9c: {  	v6 =	vld [tilespmem:s31+$0x0]  }
0x9d: {  	v5 =	vld [tilespmem:s0+$0x0]  }
0x9e: {  	v4 =	vld [tilespmem:s2+$0x0];
	v8 =	vadd.f32 @p1 $0.0e+00, v3;
	_ =	sdelay $0x1  }
0x9f: {  	s26 =	smov.u32 s22;
	p2 =	slt.s32 s22, $0x7FF;
	v8 =	vbroadcast @p1 v8, $0x0;
	v9 =	vadd.f32 @p1 $0.0e+00, v7  }
0xa0: {  	s6 =	sadd.s32 @p1 s19, s28;
	s26 =	simm.s32 @!p2 $0x7FF;
	v10 =	vadd.f32 @p1 $0.0e+00, v6  }
0xa1: {  	[tilespmem:s26+$0xC580] =	vst @p1 v8;
	v8 =	vmov @p1 s6;
	v11 =	vadd.f32 @p1 $0.0e+00, v5;
	v9 =	vbroadcast @p1 v9, $0x0  }
0xa2: {  	[tilespmem:s26+$0xCE00] =	vst @p1 v8;
	v8 =	vbroadcast @p1 v10, $0x0;
	v10 =	vadd.f32 @p1 $0.0e+00, v4  }
0xa3: {  	s5 =	sadd.s32 @p0 s5, s26;
	[tilespmem:s26+$0xD680] =	vst @p1 v9;
	v9 =	vbroadcast @p1 v11, $0x0;
	v11 =	vadd.f32 @p0 $0.0e+00, v3  }
0xa4: {  	p2 =	slt.s32 @p0 s5, $0x7FF;
	[tilespmem:s26+$0xDF00] =	vst @p1 v8;
	v8 =	vbroadcast @p1 v10, $0x0  }
0xa5: {  	p2 =	por !p2, !p0;
	s6 =	sadd.s32 @p0 s19, s28;
	v10 =	vadd.f32 @p0 $0.0e+00, v7;
	[tilespmem:s26+$0xE780] =	vst @p1 v9;
	v9 =	vbroadcast @p0 v11, $0x1  }
0xa6: {  	s5 =	simm.s32 @p2 $0x7FF;
	s6 =	sadd.s32 @p0 $0x1, s6;
	[tilespmem:s26+$0xF000] =	vst @p1 v8;
	v8 =	vadd.f32 @p0 $0.0e+00, v6  }
0xa7: {  	v10 =	vbroadcast @p0 v10, $0x1;
	v11 =	vadd.f32 @p0 $0.0e+00, v5;
	[tilespmem:s5+$0xC580] =	vst @p0 v9;
	v9 =	vmov @p0 s6  }
0xa8: {  	v8 =	vbroadcast @p0 v8, $0x1;
	[tilespmem:s5+$0xCE00] =	vst @p0 v9;
	v9 =	vadd.f32 @p0 $0.0e+00, v4  }
0xa9: {  	s4 =	sadd.s32 @p6 s26, s4;
	[tilespmem:s5+$0xD680] =	vst @p0 v10;
	v10 =	vbroadcast @p0 v11, $0x1;
	v11 =	vadd.f32 @p6 $0.0e+00, v3  }
0xaa: {  	p1 =	slt.s32 @p6 s4, $0x7FF;
	[tilespmem:s5+$0xDF00] =	vst @p0 v8;
	v8 =	vbroadcast @p0 v9, $0x1  }
0xab: {  	p1 =	por !p1, !p6;
	s6 =	sadd.s32 @p6 s19, s28;
	[tilespmem:s5+$0xE780] =	vst @p0 v10;
	v10 =	vadd.f32 @p6 $0.0e+00, v7;
	v9 =	vbroadcast @p6 v11, $0x2  }
0xac: {  	s4 =	simm.s32 @p1 $0x7FF;
	[tilespmem:s5+$0xF000] =	vst @p0 v8;
	s5 =	sadd.s32 @p6 $0x2, s6;
	v8 =	vadd.f32 @p6 $0.0e+00, v6  }
0xad: {  	v11 =	vadd.f32 @p6 $0.0e+00, v5;
	v10 =	vbroadcast @p6 v10, $0x2;
	[tilespmem:s4+$0xC580] =	vst @p6 v9;
	v9 =	vmov @p6 s5  }
0xae: {  	[tilespmem:s4+$0xCE00] =	vst @p6 v9;
	v8 =	vbroadcast @p6 v8, $0x2;
	v9 =	vadd.f32 @p6 $0.0e+00, v4  }
0xaf: {  	s3 =	sadd.s32 @p5 s26, s3;
	[tilespmem:s4+$0xD680] =	vst @p6 v10;
	v10 =	vbroadcast @p6 v11, $0x2;
	v11 =	vadd.f32 @p5 $0.0e+00, v3  }
0xb0: {  	p0 =	slt.s32 @p5 s3, $0x7FF;
	[tilespmem:s4+$0xDF00] =	vst @p6 v8;
	v8 =	vbroadcast @p6 v9, $0x2  }
0xb1: {  	p0 =	por !p0, !p5;
	s5 =	sadd.s32 @p5 s19, s28;
	[tilespmem:s4+$0xE780] =	vst @p6 v10;
	v10 =	vadd.f32 @p5 $0.0e+00, v7;
	v9 =	vbroadcast @p5 v11, $0x3  }
0xb2: {  	s3 =	simm.s32 @p0 $0x7FF;
	[tilespmem:s4+$0xF000] =	vst @p6 v8;
	s4 =	sadd.s32 @p5 $0x3, s5;
	v8 =	vadd.f32 @p5 $0.0e+00, v6  }
0xb3: {  	v11 =	vadd.f32 @p5 $0.0e+00, v5;
	v10 =	vbroadcast @p5 v10, $0x3;
	[tilespmem:s3+$0xC580] =	vst @p5 v9;
	v9 =	vmov @p5 s4  }
0xb4: {  	[tilespmem:s3+$0xCE00] =	vst @p5 v9;
	v8 =	vbroadcast @p5 v8, $0x3;
	v9 =	vadd.f32 @p5 $0.0e+00, v4  }
0xb5: {  	[tilespmem:s3+$0xD680] =	vst @p5 v10;
	v10 =	vbroadcast @p5 v11, $0x3;
	s4 =	sadd.s32 @p4 s26, s24;
	v11 =	vadd.f32 @p4 $0.0e+00, v3  }
0xb6: {  	p0 =	slt.s32 @p4 s4, $0x7FF;
	[tilespmem:s3+$0xDF00] =	vst @p5 v8;
	v8 =	vbroadcast @p5 v9, $0x3  }
0xb7: {  	s7 =	sld [smem:$0x7F3];
	s5 =	sadd.s32 @p4 s19, s28;
	[tilespmem:s3+$0xE780] =	vst @p5 v10;
	p0 =	por !p0, !p4;
	v10 =	vadd.f32 @p4 $0.0e+00, v7;
	v9 =	vbroadcast @p4 v11, $0x4  }
0xb8: {  	s4 =	simm.s32 @p0 $0x7FF;
	[tilespmem:s3+$0xF000] =	vst @p5 v8;
	s3 =	sadd.s32 @p4 $0x4, s5;
	v8 =	vadd.f32 @p4 $0.0e+00, v6  }
0xb9: {  	v11 =	vadd.f32 @p4 $0.0e+00, v5;
	v10 =	vbroadcast @p4 v10, $0x4;
	[tilespmem:s4+$0xC580] =	vst @p4 v9;
	v9 =	vmov @p4 s3  }
0xba: {  	p1 =	seq.s32 s7, $0x1;
	[tilespmem:s4+$0xCE00] =	vst @p4 v9;
	v8 =	vbroadcast @p4 v8, $0x4;
	v9 =	vadd.f32 @p4 $0.0e+00, v4  }
0xbb: {  	s1 =	sadd.s32 @p1 s26, s1;
	[tilespmem:s4+$0xD680] =	vst @p4 v10;
	v10 =	vbroadcast @p4 v11, $0x4;
	v11 =	vadd.f32 @p1 $0.0e+00, v3  }
0xbc: {  	p0 =	slt.s32 @p1 s1, $0x7FF;
	[tilespmem:s4+$0xDF00] =	vst @p4 v8;
	v8 =	vbroadcast @p4 v9, $0x4  }
0xbd: {  	p0 =	por !p0, !p1;
	s3 =	sadd.s32 @p1 s19, s28;
	[tilespmem:s4+$0xE780] =	vst @p4 v10;
	v10 =	vadd.f32 @p1 $0.0e+00, v7;
	v9 =	vbroadcast @p1 v11, $0x5  }
0xbe: {  	s24 =	sld [smem:$0x7F4];
	s1 =	simm.s32 @p0 $0x7FF;
	s3 =	sadd.s32 @p1 $0x5, s3;
	[tilespmem:s4+$0xF000] =	vst @p4 v8;
	v8 =	vadd.f32 @p1 $0.0e+00, v6  }
0xbf: {  	v11 =	vadd.f32 @p1 $0.0e+00, v5;
	v10 =	vbroadcast @p1 v10, $0x5;
	[tilespmem:s1+$0xC580] =	vst @p1 v9;
	v9 =	vmov @p1 s3  }
0xc0: {  	[tilespmem:s1+$0xCE00] =	vst @p1 v9;
	v8 =	vbroadcast @p1 v8, $0x5;
	v9 =	vadd.f32 @p1 $0.0e+00, v4  }
0xc1: {  	p2 =	seq.s32 s24, $0x1;
	[tilespmem:s1+$0xD680] =	vst @p1 v10;
	v10 =	vbroadcast @p1 v11, $0x5  }
0xc2: {  	s3 =	sadd.s32 @p2 s26, s16;
	v11 =	vadd.f32 @p2 $0.0e+00, v3;
	[tilespmem:s1+$0xDF00] =	vst @p1 v8;
	v8 =	vbroadcast @p1 v9, $0x5  }
0xc3: {  	s4 =	sadd.s32 @p2 s19, s28;
	p0 =	slt.s32 @p2 s3, $0x7FF;
	[tilespmem:s1+$0xE780] =	vst @p1 v10  }
0xc4: {  	p0 =	por !p0, !p2;
	v10 =	vadd.f32 @p2 $0.0e+00, v7;
	v9 =	vbroadcast @p2 v11, $0x6;
	[tilespmem:s1+$0xF000] =	vst @p1 v8;
	s1 =	sadd.s32 @p2 $0x6, s4;
	s4 =	sld [smem:$0x7F5]  }
0xc5: {  	s3 =	simm.s32 @p0 $0x7FF;
	v8 =	vadd.f32 @p2 $0.0e+00, v6  }
0xc6: {  	v11 =	vadd.f32 @p2 $0.0e+00, v5;
	v10 =	vbroadcast @p2 v10, $0x6;
	[tilespmem:s3+$0xC580] =	vst @p2 v9;
	v9 =	vmov @p2 s1  }
0xc7: {  	[tilespmem:s3+$0xCE00] =	vst @p2 v9;
	v8 =	vbroadcast @p2 v8, $0x6;
	v9 =	vadd.f32 @p2 $0.0e+00, v4;
	p1 =	seq.s32 s4, $0x1  }
0xc8: {  	[tilespmem:s3+$0xD680] =	vst @p2 v10;
	v10 =	vbroadcast @p2 v11, $0x6;
	s1 =	sadd.s32 @p1 s26, s15;
	v11 =	vadd.f32 @p1 $0.0e+00, v3  }
0xc9: {  	[tilespmem:s3+$0xDF00] =	vst @p2 v8;
	v8 =	vbroadcast @p2 v9, $0x6;
	p0 =	slt.s32 @p1 s1, $0x7FF  }
0xca: {  	s5 =	sld [smem:$0x7F6];
	[tilespmem:s3+$0xE780] =	vst @p2 v10;
	s4 =	sadd.s32 @p1 s19, s28;
	v10 =	vadd.f32 @p1 $0.0e+00, v7;
	p0 =	por !p0, !p1;
	v9 =	vbroadcast @p1 v11, $0x7  }
0xcb: {  	[tilespmem:s3+$0xF000] =	vst @p2 v8;
	s3 =	sadd.s32 @p1 $0x7, s4;
	v8 =	vadd.f32 @p1 $0.0e+00, v6;
	s1 =	simm.s32 @p0 $0x7FF  }
0xcc: {  	v10 =	vbroadcast @p1 v10, $0x7;
	v11 =	vadd.f32 @p1 $0.0e+00, v5;
	[tilespmem:s1+$0xC580] =	vst @p1 v9;
	v9 =	vmov @p1 s3  }
0xcd: {  	p2 =	seq.s32 s5, $0x1;
	v8 =	vbroadcast @p1 v8, $0x7;
	[tilespmem:s1+$0xCE00] =	vst @p1 v9;
	v9 =	vadd.f32 @p1 $0.0e+00, v4  }
0xce: {  	[tilespmem:s1+$0xD680] =	vst @p1 v10;
	v10 =	vbroadcast @p1 v11, $0x7;
	s3 =	sadd.s32 @p2 s26, s14;
	v11 =	vadd.f32 @p2 $0.0e+00, v3  }
0xcf: {  	p0 =	slt.s32 @p2 s3, $0x7FF;
	[tilespmem:s1+$0xDF00] =	vst @p1 v8;
	v8 =	vbroadcast @p1 v9, $0x7  }
0xd0: {  	s6 =	sld [smem:$0x7F7];
	s4 =	sadd.s32 @p2 s19, s28;
	[tilespmem:s1+$0xE780] =	vst @p1 v10;
	p0 =	por !p0, !p2;
	v10 =	vadd.f32 @p2 $0.0e+00, v7;
	v9 =	vbroadcast @p2 v11, $0x8  }
0xd1: {  	s3 =	simm.s32 @p0 $0x7FF;
	[tilespmem:s1+$0xF000] =	vst @p1 v8;
	s1 =	sadd.s32 @p2 $0x8, s4;
	v8 =	vadd.f32 @p2 $0.0e+00, v6  }
0xd2: {  	v11 =	vadd.f32 @p2 $0.0e+00, v5;
	v10 =	vbroadcast @p2 v10, $0x8;
	[tilespmem:s3+$0xC580] =	vst @p2 v9;
	v9 =	vmov @p2 s1  }
0xd3: {  	p1 =	seq.s32 s6, $0x1;
	[tilespmem:s3+$0xCE00] =	vst @p2 v9;
	v8 =	vbroadcast @p2 v8, $0x8;
	v9 =	vadd.f32 @p2 $0.0e+00, v4  }
0xd4: {  	[tilespmem:s3+$0xD680] =	vst @p2 v10;
	v10 =	vbroadcast @p2 v11, $0x8;
	s1 =	sadd.s32 @p1 s26, s13;
	v11 =	vadd.f32 @p1 $0.0e+00, v3  }
0xd5: {  	p0 =	slt.s32 @p1 s1, $0x7FF;
	[tilespmem:s3+$0xDF00] =	vst @p2 v8;
	v8 =	vbroadcast @p2 v9, $0x8  }
0xd6: {  	s7 =	sld [smem:$0x7F8];
	s4 =	sadd.s32 @p1 s19, s28;
	[tilespmem:s3+$0xE780] =	vst @p2 v10;
	p0 =	por !p0, !p1;
	v10 =	vadd.f32 @p1 $0.0e+00, v7;
	v9 =	vbroadcast @p1 v11, $0x9  }
0xd7: {  	s1 =	simm.s32 @p0 $0x7FF;
	[tilespmem:s3+$0xF000] =	vst @p2 v8;
	s3 =	sadd.s32 @p1 $0x9, s4;
	v8 =	vadd.f32 @p1 $0.0e+00, v6  }
0xd8: {  	v11 =	vadd.f32 @p1 $0.0e+00, v5;
	v10 =	vbroadcast @p1 v10, $0x9;
	[tilespmem:s1+$0xC580] =	vst @p1 v9;
	v9 =	vmov @p1 s3  }
0xd9: {  	p2 =	seq.s32 s7, $0x1;
	[tilespmem:s1+$0xCE00] =	vst @p1 v9;
	v8 =	vbroadcast @p1 v8, $0x9;
	v9 =	vadd.f32 @p1 $0.0e+00, v4  }
0xda: {  	[tilespmem:s1+$0xD680] =	vst @p1 v10;
	v10 =	vbroadcast @p1 v11, $0x9;
	s3 =	sadd.s32 @p2 s26, s12;
	v11 =	vadd.f32 @p2 $0.0e+00, v3  }
0xdb: {  	p0 =	slt.s32 @p2 s3, $0x7FF;
	[tilespmem:s1+$0xDF00] =	vst @p1 v8;
	v8 =	vbroadcast @p1 v9, $0x9  }
0xdc: {  	s13 =	sld [smem:$0x7F9];
	s4 =	sadd.s32 @p2 s19, s28;
	[tilespmem:s1+$0xE780] =	vst @p1 v10;
	p0 =	por !p0, !p2;
	v10 =	vadd.f32 @p2 $0.0e+00, v7;
	v9 =	vbroadcast @p2 v11, $0xA  }
0xdd: {  	s3 =	simm.s32 @p0 $0x7FF;
	[tilespmem:s1+$0xF000] =	vst @p1 v8;
	s1 =	sadd.s32 @p2 $0xA, s4;
	v8 =	vadd.f32 @p2 $0.0e+00, v6  }
0xde: {  	v11 =	vadd.f32 @p2 $0.0e+00, v5;
	v10 =	vbroadcast @p2 v10, $0xA;
	[tilespmem:s3+$0xC580] =	vst @p2 v9;
	v9 =	vmov @p2 s1  }
0xdf: {  	p1 =	seq.s32 s13, $0x1;
	[tilespmem:s3+$0xCE00] =	vst @p2 v9;
	v8 =	vbroadcast @p2 v8, $0xA;
	v9 =	vadd.f32 @p2 $0.0e+00, v4  }
0xe0: {  	[tilespmem:s3+$0xD680] =	vst @p2 v10;
	v10 =	vbroadcast @p2 v11, $0xA;
	s1 =	sadd.s32 @p1 s26, s11;
	v11 =	vadd.f32 @p1 $0.0e+00, v3  }
0xe1: {  	p0 =	slt.s32 @p1 s1, $0x7FF;
	[tilespmem:s3+$0xDF00] =	vst @p2 v8;
	v8 =	vbroadcast @p2 v9, $0xA  }
0xe2: {  	s14 =	sld [smem:$0x7FA];
	s4 =	sadd.s32 @p1 s19, s28;
	[tilespmem:s3+$0xE780] =	vst @p2 v10;
	p0 =	por !p0, !p1;
	v10 =	vadd.f32 @p1 $0.0e+00, v7;
	v9 =	vbroadcast @p1 v11, $0xB  }
0xe3: {  	s1 =	simm.s32 @p0 $0x7FF;
	[tilespmem:s3+$0xF000] =	vst @p2 v8;
	s3 =	sadd.s32 @p1 $0xB, s4;
	v8 =	vadd.f32 @p1 $0.0e+00, v6  }
0xe4: {  	v11 =	vadd.f32 @p1 $0.0e+00, v5;
	v10 =	vbroadcast @p1 v10, $0xB;
	[tilespmem:s1+$0xC580] =	vst @p1 v9;
	v9 =	vmov @p1 s3  }
0xe5: {  	p2 =	seq.s32 s14, $0x1;
	[tilespmem:s1+$0xCE00] =	vst @p1 v9;
	v8 =	vbroadcast @p1 v8, $0xB;
	v9 =	vadd.f32 @p1 $0.0e+00, v4  }
0xe6: {  	[tilespmem:s1+$0xD680] =	vst @p1 v10;
	v10 =	vbroadcast @p1 v11, $0xB;
	s3 =	sadd.s32 @p2 s26, s10;
	v11 =	vadd.f32 @p2 $0.0e+00, v3  }
0xe7: {  	p0 =	slt.s32 @p2 s3, $0x7FF;
	[tilespmem:s1+$0xDF00] =	vst @p1 v8;
	v8 =	vbroadcast @p1 v9, $0xB  }
0xe8: {  	s15 =	sld [smem:$0x7FB];
	s4 =	sadd.s32 @p2 s19, s28;
	[tilespmem:s1+$0xE780] =	vst @p1 v10;
	p0 =	por !p0, !p2;
	v10 =	vadd.f32 @p2 $0.0e+00, v7;
	v9 =	vbroadcast @p2 v11, $0xC  }
0xe9: {  	s3 =	simm.s32 @p0 $0x7FF;
	[tilespmem:s1+$0xF000] =	vst @p1 v8;
	s1 =	sadd.s32 @p2 $0xC, s4;
	v8 =	vadd.f32 @p2 $0.0e+00, v6  }
0xea: {  	v11 =	vadd.f32 @p2 $0.0e+00, v5;
	v10 =	vbroadcast @p2 v10, $0xC;
	[tilespmem:s3+$0xC580] =	vst @p2 v9;
	v9 =	vmov @p2 s1  }
0xeb: {  	p1 =	seq.s32 s15, $0x1;
	[tilespmem:s3+$0xCE00] =	vst @p2 v9;
	v8 =	vbroadcast @p2 v8, $0xC;
	v9 =	vadd.f32 @p2 $0.0e+00, v4  }
0xec: {  	[tilespmem:s3+$0xD680] =	vst @p2 v10;
	v10 =	vbroadcast @p2 v11, $0xC;
	s1 =	sadd.s32 @p1 s26, s9;
	v11 =	vadd.f32 @p1 $0.0e+00, v3  }
0xed: {  	p0 =	slt.s32 @p1 s1, $0x7FF;
	[tilespmem:s3+$0xDF00] =	vst @p2 v8;
	v8 =	vbroadcast @p2 v9, $0xC  }
0xee: {  	s16 =	sld [smem:$0x7FC];
	s4 =	sadd.s32 @p1 s19, s28;
	[tilespmem:s3+$0xE780] =	vst @p2 v10;
	p0 =	por !p0, !p1;
	v10 =	vadd.f32 @p1 $0.0e+00, v7;
	v9 =	vbroadcast @p1 v11, $0xD  }
0xef: {  	s1 =	simm.s32 @p0 $0x7FF;
	[tilespmem:s3+$0xF000] =	vst @p2 v8;
	s3 =	sadd.s32 @p1 $0xD, s4;
	v8 =	vadd.f32 @p1 $0.0e+00, v6  }
0xf0: {  	v11 =	vadd.f32 @p1 $0.0e+00, v5;
	v10 =	vbroadcast @p1 v10, $0xD;
	[tilespmem:s1+$0xC580] =	vst @p1 v9;
	v9 =	vmov @p1 s3  }
0xf1: {  	p2 =	seq.s32 s16, $0x1;
	[tilespmem:s1+$0xCE00] =	vst @p1 v9;
	v8 =	vbroadcast @p1 v8, $0xD;
	v9 =	vadd.f32 @p1 $0.0e+00, v4  }
0xf2: {  	[tilespmem:s1+$0xD680] =	vst @p1 v10;
	v10 =	vbroadcast @p1 v11, $0xD;
	s3 =	sadd.s32 @p2 s26, s23;
	v11 =	vadd.f32 @p2 $0.0e+00, v3  }
0xf3: {  	p0 =	slt.s32 @p2 s3, $0x7FF;
	[tilespmem:s1+$0xDF00] =	vst @p1 v8;
	v8 =	vbroadcast @p1 v9, $0xD  }
0xf4: {  	s24 =	sld [smem:$0x7FD];
	s4 =	sadd.s32 @p2 s19, s28;
	[tilespmem:s1+$0xE780] =	vst @p1 v10;
	p0 =	por !p0, !p2;
	v10 =	vadd.f32 @p2 $0.0e+00, v7;
	v9 =	vbroadcast @p2 v11, $0xE  }
0xf5: {  	s3 =	simm.s32 @p0 $0x7FF;
	[tilespmem:s1+$0xF000] =	vst @p1 v8;
	s1 =	sadd.s32 @p2 $0xE, s4;
	v8 =	vadd.f32 @p2 $0.0e+00, v6  }
0xf6: {  	v11 =	vadd.f32 @p2 $0.0e+00, v5;
	v10 =	vbroadcast @p2 v10, $0xE;
	[tilespmem:s3+$0xC580] =	vst @p2 v9;
	v9 =	vmov @p2 s1  }
0xf7: {  	p1 =	seq.s32 s24, $0x1;
	[tilespmem:s3+$0xCE00] =	vst @p2 v9;
	v8 =	vbroadcast @p2 v8, $0xE;
	v9 =	vadd.f32 @p2 $0.0e+00, v4  }
0xf8: {  	[tilespmem:s3+$0xD680] =	vst @p2 v10;
	v10 =	vbroadcast @p2 v11, $0xE;
	s1 =	sadd.s32 @p1 s26, s21;
	v3 =	vadd.f32 @p1 $0.0e+00, v3  }
0xf9: {  	p0 =	slt.s32 @p1 s1, $0x7FF;
	[tilespmem:s3+$0xDF00] =	vst @p2 v8;
	v8 =	vbroadcast @p2 v9, $0xE  }
0xfa: {  	s4 =	sadd.s32 @p1 s19, s28;
	v7 =	vadd.f32 @p1 $0.0e+00, v7;
	[tilespmem:s3+$0xE780] =	vst @p2 v10;
	p0 =	por !p0, !p1;
	v3 =	vbroadcast @p1 v3, $0xF  }
0xfb: {  	v6 =	vadd.f32 @p1 $0.0e+00, v6;
	s1 =	simm.s32 @p0 $0x7FF;
	[tilespmem:s3+$0xF000] =	vst @p2 v8;
	s3 =	sadd.s32 @p1 $0xF, s4  }
0xfc: {  	v5 =	vadd.f32 @p1 $0.0e+00, v5;
	v7 =	vbroadcast @p1 v7, $0xF;
	[tilespmem:s1+$0xC580] =	vst @p1 v3;
	v3 =	vmov @p1 s3  }
.Ltmp8:
0xfd: {  	v4 =	vadd.f32 @p1 $0.0e+00, v4;
	[tilespmem:s1+$0xCE00] =	vst @p1 v3;
	v3 =	vbroadcast @p1 v6, $0xF;
	(pc) =	sbr.rel .LBB2_7-.Ltmp8, $4  }
0xfe: {  	v5 =	vbroadcast @p1 v5, $0xF;
	[tilespmem:s1+$0xD680] =	vst @p1 v7  }
0xff: {  	[tilespmem:s1+$0xDF00] =	vst @p1 v3;
	v3 =	vbroadcast @p1 v4, $0xF  }
0x100: {  	[tilespmem:s1+$0xE780] =	vst @p1 v5  }
0x101: {  	[tilespmem:s1+$0xF000] =	vst @p1 v3  }
.LBB2_10:
0x102: {  	_ =	sfence.sel $0x180000  }
0x103: {  	[bflag:$0x0] =	sbarrier.arrive $0xFFFF  }
0x104: {  	_ =	strace $0x90000047  }
0x105: {  	s0 =	stileid.u32;
	[bflag:$0x2] =	sbarrier.arrive $0xFFFF  }
0x106: {  	p0 =	sne.s32 s0, $0x0;
	s0 =	rddreg [dreg:$0x1]  }
0x107: {  	s0 =	sadd.s32 @!p0 $0x100000, s0  }
0x108: {  	[sflag:s0] =	ssyncadd.tile.s32 @!p0 $0x1;
	_ =	shalt  }
.Lfunc_end2:
_tile_overlayer_lowered:
.L_overlay_start_2:
0x109: {  	(tag) =	ssettag $0x2  }
0x10a: {  	s0 =	rddreg [dreg:$0x0];
	s2 =	stileid.u32  }
0x10b: {  	s1 =	rddreg [dreg:$0x1];
	p0 =	sne.s32 s2, $0x0  }
0x10c: {  	s3 =	rddreg [dreg:$0x2];
	[bflag:$0x3] =	sbarrier.arrive $0xFFFF;
	s2 =	simm.s32 @!p0 $0x1C01  }
0x10d: {  	[timem:s3], [sflag:s2] =	dma.local @!p0 [hbm:s0], s1  }
0x10e: {  	s0 =	simm.s32 @!p0 $0x1  }
0x10f: {  	_ =	swait.ge @!p0 [sflag:s0], s1  }
0x110: {  	s1 =	ssub.s32 @!p0 $0x0, s1;
	[sflag:s0] =	ssyncset.done @!p0 $0x0  }
0x111: {  	[sflag:s0] =	ssyncadd.s32 @!p0 s1  }
0x112: {  	[bflag:$0x3] =	sbarrier.arrive $0xFFFF  }
0x113: {  	_ =	shalt  }

</sc_bundles>
